<compile_context>
chip_gen: v7x
topology: tpu7x:2x2x1
jax: 0.10.2.dev20260603
libtpu: 0.0.44.dev20260713+nightly
codegen_flags: <defaults>
</compile_context>

<pallas_src>
import jax
import jax.numpy as jnp
from jax import lax
from jax.experimental import pallas as pl
from jax.experimental.pallas import tpu as pltpu
from jax.experimental.pallas import tpu_sc as plsc

_B, _T, _C = 16384, 200, 3
_NW = 32
_NSPLIT = 2
_ROWS_W = _B // _NSPLIT // _NW
_RB = 32
_NCHUNK = _ROWS_W // _RB
_NBUF = 3
_GROUPS = _RB * _T // 16


def _sc_body(x_hbm, tab_hbm, out_hbm, tab_v, buf, sin, sout):
    cid = lax.axis_index("c")
    sid = lax.axis_index("s")
    wid = sid * 2 + cid
    row0 = wid * _ROWS_W

    pltpu.sync_copy(tab_hbm, tab_v)

    def inv_body(k, _):
        sl = pl.ds(k * 16, 16)
        tab_v[sl] = 1.0 / tab_v[sl]
        return 0

    lax.fori_loop(0, 16, inv_body, 0)

    lanes = lax.iota(jnp.int32, 16)

    def start_in(p, c):
        pltpu.make_async_copy(
            x_hbm.at[pl.ds(row0 + c * _RB, _RB)], buf.at[p], sin.at[p]
        ).start()

    def wait_in(p, c):
        pltpu.make_async_copy(
            x_hbm.at[pl.ds(row0 + c * _RB, _RB)], buf.at[p], sin.at[p]
        ).wait()

    def start_out(p, c):
        pltpu.make_async_copy(
            buf.at[p], out_hbm.at[pl.ds(row0 + c * _RB, _RB)], sout.at[p]
        ).start()

    def wait_out(p, c):
        pltpu.make_async_copy(
            buf.at[p], out_hbm.at[pl.ds(row0 + c * _RB, _RB)], sout.at[p]
        ).wait()

    start_in(0, 0)
    start_in(1, 1)

    def chunk_body(c, _):
        p = c % _NBUF
        pvec = lanes * 0 + p
        wait_in(p, c)

        def g_body(g, rt):
            r, t = rt
            ci = t * 3 + 1
            idx = plsc.load_gather(buf, [pvec, r, ci]).astype(jnp.int32)
            nf = plsc.load_gather(tab_v, [idx])
            val = plsc.load_gather(buf, [pvec, r, ci + 1])
            plsc.store_scatter(buf, [pvec, r, ci + 1], val * nf)
            t2 = t + 16
            wrap = t2 >= _T
            return (jnp.where(wrap, r + 1, r), jnp.where(wrap, t2 - _T, t2))

        lax.fori_loop(0, _GROUPS, g_body, (lanes * 0, lanes))

        start_out(p, c)
        q = (c + 2) % _NBUF

        @pl.when(c >= 1)
        def _():
            wait_out(q, c - 1)

        @pl.when(c + 2 < _NCHUNK)
        def _():
            start_in(q, c + 2)

        return 0

    lax.fori_loop(0, _NCHUNK, chunk_body, 0)
    wait_out((_NCHUNK - 1) % _NBUF, _NCHUNK - 1)


def _sc_call_half(x, norm_factors):
    mesh = plsc.VectorSubcoreMesh(core_axis_name="c", subcore_axis_name="s")
    return pl.kernel(
        _sc_body,
        out_type=jax.ShapeDtypeStruct((_B // _NSPLIT, _T * _C), jnp.float32),
        mesh=mesh,
        scratch_types=[
            pltpu.VMEM((256,), jnp.float32),
            pltpu.VMEM((_NBUF, _RB, _T * _C), jnp.float32),
            pltpu.SemaphoreType.DMA((_NBUF,)),
            pltpu.SemaphoreType.DMA((_NBUF,)),
        ],
        compiler_params=pltpu.CompilerParams(
            needs_layout_passes=False,
        ),
    )(x, norm_factors)


@jax.jit
def kernel(td, norm_factors):
    h = _B // _NSPLIT
    ys = []
    for i in range(_NSPLIT):
        x = td[i * h:(i + 1) * h].reshape(h, _T * _C)
        ys.append(_sc_call_half(x, norm_factors).reshape(h, _T, _C))
    return jnp.concatenate(ys, axis=0)

# --- scband reference (transcript-rebuilt; emitter-appended) ---
"""Pipeline reference for scband-obs-attr-val-norm-45406394254127 (READ-ONLY COPY).

The authoritative reference and input builder live on the scoring server;
editing this copy changes nothing except your own understanding.
"""

import jax, jax.numpy as jnp
import numpy as np

FEATURE_NORMALIZATIONS = [1.0, 255.0, 100.0, 30.0, 10.0, 1.0, 255.0, 100.0, 30.0, 10.0, 1.0, 255.0, 100.0, 30.0, 10.0, 1.0, 255.0, 100.0, 30.0, 10.0, 1.0, 255.0, 100.0, 30.0, 10.0, 1.0, 255.0, 100.0, 30.0, 10.0, 1.0, 255.0]
MAX_EMBEDS = 256

def _make_norm_factors():
    norm = np.ones(MAX_EMBEDS, dtype=np.float32)
    for i, val in enumerate(FEATURE_NORMALIZATIONS):
        norm[i] = val
    return jnp.asarray(norm)

def setup_inputs(seed: int = 0) -> dict:
    key = jax.random.key(seed)
    td = jax.random.randint(key, (16384, 200, 3), 0, 256).astype(jnp.float32)
    return {"td": td, "norm_factors": _make_norm_factors()}

def reference(td, norm_factors):
    # attr index is stored in channel 1 of the observation triplet
    attr_indices = td[..., 1].astype(jnp.int32)
    # gather per-token normalization factor from the 256-entry table
    nf = jnp.take(norm_factors, attr_indices, axis=0)
    # divide the value channel (channel 2) by its normalization factor
    observations = td.at[..., 2].set(td[..., 2] / nf)
    return observations

if __name__ == "__main__":
    import jax
    _d = setup_inputs()
    print(jax.jit(kernel)(*tuple(_d.values())))

</pallas_src>

<mosaic_0001>
#map = affine_map<(d0, d1) -> (0, 0)>
#map1 = affine_map<(d0, d1) -> (0)>
module attributes {stable_mosaic.version = 14 : i64} {
  func.func @_sc_body(%arg0: i32, %arg1: i32, %arg2: memref<8192x600xf32, #tpu.memory_space<hbm>>, %arg3: memref<256xf32, #tpu.memory_space<hbm>>, %arg4: memref<8192x600xf32, #tpu.memory_space<hbm>>, %arg5: memref<256xf32, #tpu.memory_space<vmem>>, %arg6: memref<3x32x600xf32, #tpu.memory_space<vmem>>, %arg7: memref<3x!tpu.dma_semaphore, #tpu.memory_space<semaphore_mem>>, %arg8: memref<3x!tpu.dma_semaphore, #tpu.memory_space<semaphore_mem>>) attributes {dimension_semantics = [#tpu.dimension_semantics<core_parallel>, #tpu.dimension_semantics<subcore_parallel>], iteration_bounds = array<i64: 2, 16>, scalar_prefetch = 0 : i64, scratch_operands = 4 : i64, tpu.core_type = #tpu.core_type<sc_vector_subcore>, window_params = [{transform_indices = #map}, {transform_indices = #map1}, {transform_indices = #map}]} {
    %mul3A = arith.constant 2 : i32
    %mul3A_0 = arith.muli %arg1, %mul3A : i32
    %add3A = arith.addi %mul3A_0, %arg0 : i32
    %mul3A_1 = arith.constant 256 : i32
    %mul3A_2 = arith.muli %add3A, %mul3A_1 : i32
    "tpu.region"() ({
      %run_scoped3A = tpu.sem_alloc : memref<!tpu.dma_semaphore, #tpu.memory_space<semaphore_mem>>
      tpu.enqueue_dma source(%arg3 : memref<256xf32, #tpu.memory_space<hbm>>) target(%arg5 : memref<256xf32, #tpu.memory_space<vmem>>) target_semaphore(%run_scoped3A : memref<!tpu.dma_semaphore, #tpu.memory_space<semaphore_mem>>)
      tpu.wait_dma2 semaphore(%run_scoped3A : memref<!tpu.dma_semaphore, #tpu.memory_space<semaphore_mem>>) src(%arg3 : memref<256xf32, #tpu.memory_space<hbm>>) dst(%arg5 : memref<256xf32, #tpu.memory_space<vmem>>)
      tpu.yield
    }) : () -> ()
    %scan3A = arith.constant 0 : i32
    %scan3A_3 = arith.constant 0 : i32
    %scan3A_4 = arith.constant 16 : i32
    %scan3A_5 = arith.addi %scan3A_3, %scan3A_4 : i32
    %scan3A_6 = arith.constant 1 : i32
    %scan3A_7 = scf.for %scan3A_68 = %scan3A_3 to %scan3A_5 step %scan3A_6 iter_args(%scan3A_69 = %scan3A) -> (i32)  : i32 {
      %mul3A_70 = arith.constant 16 : i32
      %mul3A_71 = arith.muli %scan3A_68, %mul3A_70 : i32
      %get3A = arith.index_cast %mul3A_71 : i32 to index
      %get3A_72 = tpu.vector_load %arg5[%get3A] {strides = array<i32>} : memref<256xf32, #tpu.memory_space<vmem>>, vector<16xf32>,
      %div3A = arith.constant 1.000000e+00 : f32
      %div3A_73 = vector.broadcast %div3A : f32 to vector<16xf32>
      %div3A_74 = arith.divf %div3A_73, %get3A_72 : vector<16xf32>
      %swap3A = arith.index_cast %mul3A_71 : i32 to index
      %swap3A_75 = tpu.vector_load %arg5[%swap3A] {strides = array<i32>} : memref<256xf32, #tpu.memory_space<vmem>>, vector<16xf32>,
      tpu.vector_store %arg5[%swap3A], %div3A_74 {strides = array<i32>} : memref<256xf32, #tpu.memory_space<vmem>>, vector<16xf32>,
      %scan3A_76 = arith.constant 0 : i32
      scf.yield %scan3A_76 : i32
    }
    %scan3A_8 = arith.constant 16 : i32
    %iota3A = tpu.iota {dimensions = array<i32: 0>} : vector<16xi32>
    %add3A_9 = arith.constant 0 : i32
    %add3A_10 = arith.addi %mul3A_2, %add3A_9 : i32
    %dma_start3A = arith.constant 0 : i32
    %dma_start3A_11 = arith.constant 0 : i32
    %dma_start3A_12 = arith.constant 0 : i32
    %dma_start3A_13 = arith.constant 0 : i32
    %dma_start3A_14 = tpu.memref_slice %arg6[%dma_start3A, %dma_start3A_12, %dma_start3A_13] : memref<3x32x600xf32, #tpu.memory_space<vmem>> -> memref<1x32x600xf32, #tpu.memory_space<vmem>>
    %dma_start3A_15 = tpu.memref_squeeze %dma_start3A_14 : memref<1x32x600xf32, #tpu.memory_space<vmem>> -> memref<32x600xf32, #tpu.memory_space<vmem>>
    %dma_start3A_16 = arith.constant 0 : i32
    %dma_start3A_17 = tpu.memref_slice %arg2[%add3A_10, %dma_start3A_16] : memref<8192x600xf32, #tpu.memory_space<hbm>> -> memref<32x600xf32, #tpu.memory_space<hbm>>
    %dma_start3A_18 = tpu.memref_slice %arg7[%dma_start3A_11] : memref<3x!tpu.dma_semaphore, #tpu.memory_space<semaphore_mem>> -> memref<1x!tpu.dma_semaphore, #tpu.memory_space<semaphore_mem>>
    %dma_start3A_19 = tpu.memref_squeeze %dma_start3A_18 : memref<1x!tpu.dma_semaphore, #tpu.memory_space<semaphore_mem>> -> memref<!tpu.dma_semaphore, #tpu.memory_space<semaphore_mem>>
    %dma_start3A_20 = arith.constant 0 : i32
    %dma_start3A_21 = arith.constant 0 : i32
    %dma_start3A_22 = tpu.memref_slice %arg6[%dma_start3A, %dma_start3A_20, %dma_start3A_21] : memref<3x32x600xf32, #tpu.memory_space<vmem>> -> memref<1x32x600xf32, #tpu.memory_space<vmem>>
    %dma_start3A_23 = tpu.memref_squeeze %dma_start3A_22 : memref<1x32x600xf32, #tpu.memory_space<vmem>> -> memref<32x600xf32, #tpu.memory_space<vmem>>
    %dma_start3A_24 = arith.constant 0 : i32
    %dma_start3A_25 = tpu.memref_slice %arg2[%add3A_10, %dma_start3A_24] : memref<8192x600xf32, #tpu.memory_space<hbm>> -> memref<32x600xf32, #tpu.memory_space<hbm>>
    tpu.enqueue_dma source(%dma_start3A_25 : memref<32x600xf32, #tpu.memory_space<hbm>>) target(%dma_start3A_23 : memref<32x600xf32, #tpu.memory_space<vmem>>) target_semaphore(%dma_start3A_19 : memref<!tpu.dma_semaphore, #tpu.memory_space<semaphore_mem>>)
    %add3A_26 = arith.constant 32 : i32
    %add3A_27 = arith.addi %mul3A_2, %add3A_26 : i32
    %dma_start3A_28 = arith.constant 1 : i32
    %dma_start3A_29 = arith.constant 1 : i32
    %dma_start3A_30 = arith.constant 0 : i32
    %dma_start3A_31 = arith.constant 0 : i32
    %dma_start3A_32 = tpu.memref_slice %arg6[%dma_start3A_28, %dma_start3A_30, %dma_start3A_31] : memref<3x32x600xf32, #tpu.memory_space<vmem>> -> memref<1x32x600xf32, #tpu.memory_space<vmem>>
    %dma_start3A_33 = tpu.memref_squeeze %dma_start3A_32 : memref<1x32x600xf32, #tpu.memory_space<vmem>> -> memref<32x600xf32, #tpu.memory_space<vmem>>
    %dma_start3A_34 = arith.constant 0 : i32
    %dma_start3A_35 = tpu.memref_slice %arg2[%add3A_27, %dma_start3A_34] : memref<8192x600xf32, #tpu.memory_space<hbm>> -> memref<32x600xf32, #tpu.memory_space<hbm>>
    %dma_start3A_36 = tpu.memref_slice %arg7[%dma_start3A_29] : memref<3x!tpu.dma_semaphore, #tpu.memory_space<semaphore_mem>> -> memref<1x!tpu.dma_semaphore, #tpu.memory_space<semaphore_mem>>
    %dma_start3A_37 = tpu.memref_squeeze %dma_start3A_36 : memref<1x!tpu.dma_semaphore, #tpu.memory_space<semaphore_mem>> -> memref<!tpu.dma_semaphore, #tpu.memory_space<semaphore_mem>>
    %dma_start3A_38 = arith.constant 0 : i32
    %dma_start3A_39 = arith.constant 0 : i32
    %dma_start3A_40 = tpu.memref_slice %arg6[%dma_start3A_28, %dma_start3A_38, %dma_start3A_39] : memref<3x32x600xf32, #tpu.memory_space<vmem>> -> memref<1x32x600xf32, #tpu.memory_space<vmem>>
    %dma_start3A_41 = tpu.memref_squeeze %dma_start3A_40 : memref<1x32x600xf32, #tpu.memory_space<vmem>> -> memref<32x600xf32, #tpu.memory_space<vmem>>
    %dma_start3A_42 = arith.constant 0 : i32
    %dma_start3A_43 = tpu.memref_slice %arg2[%add3A_27, %dma_start3A_42] : memref<8192x600xf32, #tpu.memory_space<hbm>> -> memref<32x600xf32, #tpu.memory_space<hbm>>
    tpu.enqueue_dma source(%dma_start3A_43 : memref<32x600xf32, #tpu.memory_space<hbm>>) target(%dma_start3A_41 : memref<32x600xf32, #tpu.memory_space<vmem>>) target_semaphore(%dma_start3A_37 : memref<!tpu.dma_semaphore, #tpu.memory_space<semaphore_mem>>)
    %scan3A_44 = arith.constant 0 : i32
    %scan3A_45 = arith.constant 0 : i32
    %scan3A_46 = arith.constant 8 : i32
    %scan3A_47 = arith.addi %scan3A_45, %scan3A_46 : i32
    %scan3A_48 = arith.constant 1 : i32
    %scan3A_49 = scf.for %scan3A_68 = %scan3A_45 to %scan3A_47 step %scan3A_48 iter_args(%scan3A_69 = %scan3A_44) -> (i32)  : i32 {
      %jit3A = arith.constant 3 : i32
      %eq3A = arith.constant 0 : i32
      %eq3A_70 = arith.cmpi eq, %jit3A, %eq3A : i32
      %jit3A_71 = arith.constant 1 : i32
      %select_n3A = arith.select %eq3A_70, %jit3A_71, %jit3A : i32
      %rem3A = arith.remsi %scan3A_68, %select_n3A : i32
      %ne3A = arith.constant 0 : i32
      %ne3A_72 = arith.cmpi ne, %rem3A, %ne3A : i32
      %lt3A = arith.constant 0 : i32
      %lt3A_73 = arith.cmpi slt, %rem3A, %lt3A : i32
      %lt3A_74 = arith.constant 0 : i32
      %lt3A_75 = arith.cmpi slt, %select_n3A, %lt3A_74 : i32
      %ne3A_76 = arith.xori %lt3A_73, %lt3A_75 : i1
      %and3A = arith.andi %ne3A_76, %ne3A_72 : i1
      %add3A_77 = arith.addi %rem3A, %select_n3A : i32
      %select_n3A_78 = arith.select %and3A, %add3A_77, %rem3A : i32
      %mul3A_79 = arith.constant 0 : i32
      %mul3A_80 = vector.broadcast %mul3A_79 : i32 to vector<16xi32>
      %mul3A_81 = arith.muli %iota3A, %mul3A_80 : vector<16xi32>
      %add3A_82 = vector.broadcast %select_n3A_78 : i32 to vector<16xi32>
      %add3A_83 = arith.addi %mul3A_81, %add3A_82 : vector<16xi32>
      %mul3A_84 = arith.constant 32 : i32
      %mul3A_85 = arith.muli %scan3A_68, %mul3A_84 : i32
      %add3A_86 = arith.addi %mul3A_2, %mul3A_85 : i32
      %dma_wait3A_87 = arith.constant 0 : i32
      %dma_wait3A_88 = arith.constant 0 : i32
      %dma_wait3A_89 = tpu.memref_slice %arg6[%select_n3A_78, %dma_wait3A_87, %dma_wait3A_88] : memref<3x32x600xf32, #tpu.memory_space<vmem>> -> memref<1x32x600xf32, #tpu.memory_space<vmem>>
      %dma_wait3A_90 = tpu.memref_squeeze %dma_wait3A_89 : memref<1x32x600xf32, #tpu.memory_space<vmem>> -> memref<32x600xf32, #tpu.memory_space<vmem>>
      %dma_wait3A_91 = arith.constant 0 : i32
      %dma_wait3A_92 = tpu.memref_slice %arg2[%add3A_86, %dma_wait3A_91] : memref<8192x600xf32, #tpu.memory_space<hbm>> -> memref<32x600xf32, #tpu.memory_space<hbm>>
      %dma_wait3A_93 = tpu.memref_slice %arg7[%select_n3A_78] : memref<3x!tpu.dma_semaphore, #tpu.memory_space<semaphore_mem>> -> memref<1x!tpu.dma_semaphore, #tpu.memory_space<semaphore_mem>>
      %dma_wait3A_94 = tpu.memref_squeeze %dma_wait3A_93 : memref<1x!tpu.dma_semaphore, #tpu.memory_space<semaphore_mem>> -> memref<!tpu.dma_semaphore, #tpu.memory_space<semaphore_mem>>
      %dma_wait3A_95 = arith.constant 0 : i32
      %dma_wait3A_96 = arith.constant 0 : i32
      %dma_wait3A_97 = tpu.memref_slice %arg6[%select_n3A_78, %dma_wait3A_95, %dma_wait3A_96] : memref<3x32x600xf32, #tpu.memory_space<vmem>> -> memref<1x32x600xf32, #tpu.memory_space<vmem>>
      %dma_wait3A_98 = tpu.memref_squeeze %dma_wait3A_97 : memref<1x32x600xf32, #tpu.memory_space<vmem>> -> memref<32x600xf32, #tpu.memory_space<vmem>>
      %dma_wait3A_99 = arith.constant 0 : i32
      %dma_wait3A_100 = tpu.memref_slice %arg2[%add3A_86, %dma_wait3A_99] : memref<8192x600xf32, #tpu.memory_space<hbm>> -> memref<32x600xf32, #tpu.memory_space<hbm>>
      tpu.wait_dma2 semaphore(%dma_wait3A_94 : memref<!tpu.dma_semaphore, #tpu.memory_space<semaphore_mem>>) src(%dma_wait3A_100 : memref<32x600xf32, #tpu.memory_space<hbm>>) dst(%dma_wait3A_98 : memref<32x600xf32, #tpu.memory_space<vmem>>)
      %mul3A_101 = arith.constant 0 : i32
      %mul3A_102 = vector.broadcast %mul3A_101 : i32 to vector<16xi32>
      %mul3A_103 = arith.muli %iota3A, %mul3A_102 : vector<16xi32>
      %scan3A_104 = arith.constant 0 : i32
      %scan3A_105 = arith.constant 400 : i32
      %scan3A_106 = arith.addi %scan3A_104, %scan3A_105 : i32
      %scan3A_107 = arith.constant 1 : i32
      %scan3A_108:2 = scf.for %scan3A_155 = %scan3A_104 to %scan3A_106 step %scan3A_107 iter_args(%scan3A_156 = %mul3A_103, %scan3A_157 = %iota3A) -> (vector<16xi32>, vector<16xi32>)  : i32 {
        %mul3A_158 = arith.constant 3 : i32
        %mul3A_159 = vector.broadcast %mul3A_158 : i32 to vector<16xi32>
        %mul3A_160 = arith.muli %scan3A_157, %mul3A_159 : vector<16xi32>
        %add3A_161 = arith.constant 1 : i32
        %add3A_162 = vector.broadcast %add3A_161 : i32 to vector<16xi32>
        %add3A_163 = arith.addi %mul3A_160, %add3A_162 : vector<16xi32>
        %gather3A = tpu.vector_load_idx %arg6[%add3A_83, %scan3A_156, %add3A_163] : memref<3x32x600xf32, #tpu.memory_space<vmem>>[vector<16xi32>, vector<16xi32>, vector<16xi32>], vector<16xf32>,
        %convert_element_type3A_164 = arith.fptosi %gather3A : vector<16xf32> to vector<16xi32>
        %gather3A_165 = tpu.vector_load_idx %arg5[%convert_element_type3A_164] : memref<256xf32, #tpu.memory_space<vmem>>[vector<16xi32>], vector<16xf32>,
        %add3A_166 = arith.constant 1 : i32
        %add3A_167 = vector.broadcast %add3A_166 : i32 to vector<16xi32>
        %add3A_168 = arith.addi %add3A_163, %add3A_167 : vector<16xi32>
        %gather3A_169 = tpu.vector_load_idx %arg6[%add3A_83, %scan3A_156, %add3A_168] : memref<3x32x600xf32, #tpu.memory_space<vmem>>[vector<16xi32>, vector<16xi32>, vector<16xi32>], vector<16xf32>,
        %add3A_170 = arith.constant 1 : i32
        %add3A_171 = vector.broadcast %add3A_170 : i32 to vector<16xi32>
        %add3A_172 = arith.addi %add3A_163, %add3A_171 : vector<16xi32>
        %mul3A_173 = arith.mulf %gather3A_169, %gather3A_165 : vector<16xf32>
        tpu.vector_store_idx %arg6[%add3A_83, %scan3A_156, %add3A_172], %mul3A_173 : memref<3x32x600xf32, #tpu.memory_space<vmem>>[vector<16xi32>, vector<16xi32>, vector<16xi32>], vector<16xf32>,
        %add3A_174 = arith.constant 16 : i32
        %add3A_175 = vector.broadcast %add3A_174 : i32 to vector<16xi32>
        %add3A_176 = arith.addi %scan3A_157, %add3A_175 : vector<16xi32>
        %ge3A_177 = arith.constant 200 : i32
        %ge3A_178 = vector.broadcast %ge3A_177 : i32 to vector<16xi32>
        %ge3A_179 = arith.cmpi sge, %add3A_176, %ge3A_178 : vector<16xi32>
        %add3A_180 = arith.constant 1 : i32
        %add3A_181 = vector.broadcast %add3A_180 : i32 to vector<16xi32>
        %add3A_182 = arith.addi %scan3A_156, %add3A_181 : vector<16xi32>
        %select_n3A_183 = arith.select %ge3A_179, %add3A_182, %scan3A_156 : vector<16xi1>, vector<16xi32>
        %sub3A = arith.constant 200 : i32
        %sub3A_184 = vector.broadcast %sub3A : i32 to vector<16xi32>
        %sub3A_185 = arith.subi %add3A_176, %sub3A_184 : vector<16xi32>
        %select_n3A_186 = arith.select %ge3A_179, %sub3A_185, %add3A_176 : vector<16xi1>, vector<16xi32>
        scf.yield %select_n3A_183, %select_n3A_186 : vector<16xi32>, vector<16xi32>
      }
      %scan3A_109 = arith.constant 400 : i32
      %mul3A_110 = arith.constant 32 : i32
      %mul3A_111 = arith.muli %scan3A_68, %mul3A_110 : i32
      %add3A_112 = arith.addi %mul3A_2, %mul3A_111 : i32
      %dma_start3A_113 = arith.constant 0 : i32
      %dma_start3A_114 = arith.constant 0 : i32
      %dma_start3A_115 = tpu.memref_slice %arg6[%select_n3A_78, %dma_start3A_113, %dma_start3A_114] : memref<3x32x600xf32, #tpu.memory_space<vmem>> -> memref<1x32x600xf32, #tpu.memory_space<vmem>>
      %dma_start3A_116 = tpu.memref_squeeze %dma_start3A_115 : memref<1x32x600xf32, #tpu.memory_space<vmem>> -> memref<32x600xf32, #tpu.memory_space<vmem>>
      %dma_start3A_117 = arith.constant 0 : i32
      %dma_start3A_118 = tpu.memref_slice %arg4[%add3A_112, %dma_start3A_117] : memref<8192x600xf32, #tpu.memory_space<hbm>> -> memref<32x600xf32, #tpu.memory_space<hbm>>
      %dma_start3A_119 = tpu.memref_slice %arg8[%select_n3A_78] : memref<3x!tpu.dma_semaphore, #tpu.memory_space<semaphore_mem>> -> memref<1x!tpu.dma_semaphore, #tpu.memory_space<semaphore_mem>>
      %dma_start3A_120 = tpu.memref_squeeze %dma_start3A_119 : memref<1x!tpu.dma_semaphore, #tpu.memory_space<semaphore_mem>> -> memref<!tpu.dma_semaphore, #tpu.memory_space<semaphore_mem>>
      %dma_start3A_121 = arith.constant 0 : i32
      %dma_start3A_122 = tpu.memref_slice %arg4[%add3A_112, %dma_start3A_121] : memref<8192x600xf32, #tpu.memory_space<hbm>> -> memref<32x600xf32, #tpu.memory_space<hbm>>
      %dma_start3A_123 = arith.constant 0 : i32
      %dma_start3A_124 = arith.constant 0 : i32
      %dma_start3A_125 = tpu.memref_slice %arg6[%select_n3A_78, %dma_start3A_123, %dma_start3A_124] : memref<3x32x600xf32, #tpu.memory_space<vmem>> -> memref<1x32x600xf32, #tpu.memory_space<vmem>>
      %dma_start3A_126 = tpu.memref_squeeze %dma_start3A_125 : memref<1x32x600xf32, #tpu.memory_space<vmem>> -> memref<32x600xf32, #tpu.memory_space<vmem>>
      tpu.enqueue_dma source(%dma_start3A_126 : memref<32x600xf32, #tpu.memory_space<vmem>>) target(%dma_start3A_122 : memref<32x600xf32, #tpu.memory_space<hbm>>) target_semaphore(%dma_start3A_120 : memref<!tpu.dma_semaphore, #tpu.memory_space<semaphore_mem>>)
      %add3A_127 = arith.constant 2 : i32
      %add3A_128 = arith.addi %scan3A_68, %add3A_127 : i32
      %jit3A_129 = arith.constant 3 : i32
      %eq3A_130 = arith.constant 0 : i32
      %eq3A_131 = arith.cmpi eq, %jit3A_129, %eq3A_130 : i32
      %jit3A_132 = arith.constant 1 : i32
      %select_n3A_133 = arith.select %eq3A_131, %jit3A_132, %jit3A_129 : i32
      %rem3A_134 = arith.remsi %add3A_128, %select_n3A_133 : i32
      %ne3A_135 = arith.constant 0 : i32
      %ne3A_136 = arith.cmpi ne, %rem3A_134, %ne3A_135 : i32
      %lt3A_137 = arith.constant 0 : i32
      %lt3A_138 = arith.cmpi slt, %rem3A_134, %lt3A_137 : i32
      %lt3A_139 = arith.constant 0 : i32
      %lt3A_140 = arith.cmpi slt, %select_n3A_133, %lt3A_139 : i32
      %ne3A_141 = arith.xori %lt3A_138, %lt3A_140 : i1
      %and3A_142 = arith.andi %ne3A_141, %ne3A_136 : i1
      %add3A_143 = arith.addi %rem3A_134, %select_n3A_133 : i32
      %select_n3A_144 = arith.select %and3A_142, %add3A_143, %rem3A_134 : i32
      %ge3A = arith.constant 1 : i32
      %ge3A_145 = arith.cmpi sge, %scan3A_68, %ge3A : i32
      %convert_element_type3A = arith.extui %ge3A_145 : i1 to i32
      %cond3A = arith.constant 0 : i32
      %cond3A_146 = arith.cmpi ne, %convert_element_type3A, %cond3A : i32
      scf.if %cond3A_146 {
        %sub3A = arith.constant 1 : i32
        %sub3A_155 = arith.subi %scan3A_68, %sub3A : i32
        %mul3A_156 = arith.constant 32 : i32
        %mul3A_157 = arith.muli %sub3A_155, %mul3A_156 : i32
        %add3A_158 = arith.addi %mul3A_2, %mul3A_157 : i32
        %dma_wait3A_159 = arith.constant 0 : i32
        %dma_wait3A_160 = arith.constant 0 : i32
        %dma_wait3A_161 = tpu.memref_slice %arg6[%select_n3A_144, %dma_wait3A_159, %dma_wait3A_160] : memref<3x32x600xf32, #tpu.memory_space<vmem>> -> memref<1x32x600xf32, #tpu.memory_space<vmem>>
        %dma_wait3A_162 = tpu.memref_squeeze %dma_wait3A_161 : memref<1x32x600xf32, #tpu.memory_space<vmem>> -> memref<32x600xf32, #tpu.memory_space<vmem>>
        %dma_wait3A_163 = arith.constant 0 : i32
        %dma_wait3A_164 = tpu.memref_slice %arg4[%add3A_158, %dma_wait3A_163] : memref<8192x600xf32, #tpu.memory_space<hbm>> -> memref<32x600xf32, #tpu.memory_space<hbm>>
        %dma_wait3A_165 = tpu.memref_slice %arg8[%select_n3A_144] : memref<3x!tpu.dma_semaphore, #tpu.memory_space<semaphore_mem>> -> memref<1x!tpu.dma_semaphore, #tpu.memory_space<semaphore_mem>>
        %dma_wait3A_166 = tpu.memref_squeeze %dma_wait3A_165 : memref<1x!tpu.dma_semaphore, #tpu.memory_space<semaphore_mem>> -> memref<!tpu.dma_semaphore, #tpu.memory_space<semaphore_mem>>
        %dma_wait3A_167 = arith.constant 0 : i32
        %dma_wait3A_168 = tpu.memref_slice %arg4[%add3A_158, %dma_wait3A_167] : memref<8192x600xf32, #tpu.memory_space<hbm>> -> memref<32x600xf32, #tpu.memory_space<hbm>>
        %dma_wait3A_169 = arith.constant 0 : i32
        %dma_wait3A_170 = arith.constant 0 : i32
        %dma_wait3A_171 = tpu.memref_slice %arg6[%select_n3A_144, %dma_wait3A_169, %dma_wait3A_170] : memref<3x32x600xf32, #tpu.memory_space<vmem>> -> memref<1x32x600xf32, #tpu.memory_space<vmem>>
        %dma_wait3A_172 = tpu.memref_squeeze %dma_wait3A_171 : memref<1x32x600xf32, #tpu.memory_space<vmem>> -> memref<32x600xf32, #tpu.memory_space<vmem>>
        tpu.wait_dma2 semaphore(%dma_wait3A_166 : memref<!tpu.dma_semaphore, #tpu.memory_space<semaphore_mem>>) src(%dma_wait3A_172 : memref<32x600xf32, #tpu.memory_space<vmem>>) dst(%dma_wait3A_168 : memref<32x600xf32, #tpu.memory_space<hbm>>)
      } else {
      }
      %add3A_147 = arith.constant 2 : i32
      %add3A_148 = arith.addi %scan3A_68, %add3A_147 : i32
      %lt3A_149 = arith.constant 8 : i32
      %lt3A_150 = arith.cmpi slt, %add3A_148, %lt3A_149 : i32
      %convert_element_type3A_151 = arith.extui %lt3A_150 : i1 to i32
      %cond3A_152 = arith.constant 0 : i32
      %cond3A_153 = arith.cmpi ne, %convert_element_type3A_151, %cond3A_152 : i32
      scf.if %cond3A_153 {
        %add3A_155 = arith.constant 2 : i32
        %add3A_156 = arith.addi %scan3A_68, %add3A_155 : i32
        %mul3A_157 = arith.constant 32 : i32
        %mul3A_158 = arith.muli %add3A_156, %mul3A_157 : i32
        %add3A_159 = arith.addi %mul3A_2, %mul3A_158 : i32
        %dma_start3A_160 = arith.constant 0 : i32
        %dma_start3A_161 = arith.constant 0 : i32
        %dma_start3A_162 = tpu.memref_slice %arg6[%select_n3A_144, %dma_start3A_160, %dma_start3A_161] : memref<3x32x600xf32, #tpu.memory_space<vmem>> -> memref<1x32x600xf32, #tpu.memory_space<vmem>>
        %dma_start3A_163 = tpu.memref_squeeze %dma_start3A_162 : memref<1x32x600xf32, #tpu.memory_space<vmem>> -> memref<32x600xf32, #tpu.memory_space<vmem>>
        %dma_start3A_164 = arith.constant 0 : i32
        %dma_start3A_165 = tpu.memref_slice %arg2[%add3A_159, %dma_start3A_164] : memref<8192x600xf32, #tpu.memory_space<hbm>> -> memref<32x600xf32, #tpu.memory_space<hbm>>
        %dma_start3A_166 = tpu.memref_slice %arg7[%select_n3A_144] : memref<3x!tpu.dma_semaphore, #tpu.memory_space<semaphore_mem>> -> memref<1x!tpu.dma_semaphore, #tpu.memory_space<semaphore_mem>>
        %dma_start3A_167 = tpu.memref_squeeze %dma_start3A_166 : memref<1x!tpu.dma_semaphore, #tpu.memory_space<semaphore_mem>> -> memref<!tpu.dma_semaphore, #tpu.memory_space<semaphore_mem>>
        %dma_start3A_168 = arith.constant 0 : i32
        %dma_start3A_169 = arith.constant 0 : i32
        %dma_start3A_170 = tpu.memref_slice %arg6[%select_n3A_144, %dma_start3A_168, %dma_start3A_169] : memref<3x32x600xf32, #tpu.memory_space<vmem>> -> memref<1x32x600xf32, #tpu.memory_space<vmem>>
        %dma_start3A_171 = tpu.memref_squeeze %dma_start3A_170 : memref<1x32x600xf32, #tpu.memory_space<vmem>> -> memref<32x600xf32, #tpu.memory_space<vmem>>
        %dma_start3A_172 = arith.constant 0 : i32
        %dma_start3A_173 = tpu.memref_slice %arg2[%add3A_159, %dma_start3A_172] : memref<8192x600xf32, #tpu.memory_space<hbm>> -> memref<32x600xf32, #tpu.memory_space<hbm>>
        tpu.enqueue_dma source(%dma_start3A_173 : memref<32x600xf32, #tpu.memory_space<hbm>>) target(%dma_start3A_171 : memref<32x600xf32, #tpu.memory_space<vmem>>) target_semaphore(%dma_start3A_167 : memref<!tpu.dma_semaphore, #tpu.memory_space<semaphore_mem>>)
      } else {
      }
      %scan3A_154 = arith.constant 0 : i32
      scf.yield %scan3A_154 : i32
    }
    %scan3A_50 = arith.constant 8 : i32
    %add3A_51 = arith.constant 224 : i32
    %add3A_52 = arith.addi %mul3A_2, %add3A_51 : i32
    %dma_wait3A = arith.constant 1 : i32
    %dma_wait3A_53 = arith.constant 1 : i32
    %dma_wait3A_54 = arith.constant 0 : i32
    %dma_wait3A_55 = arith.constant 0 : i32
    %dma_wait3A_56 = tpu.memref_slice %arg6[%dma_wait3A, %dma_wait3A_54, %dma_wait3A_55] : memref<3x32x600xf32, #tpu.memory_space<vmem>> -> memref<1x32x600xf32, #tpu.memory_space<vmem>>
    %dma_wait3A_57 = tpu.memref_squeeze %dma_wait3A_56 : memref<1x32x600xf32, #tpu.memory_space<vmem>> -> memref<32x600xf32, #tpu.memory_space<vmem>>
    %dma_wait3A_58 = arith.constant 0 : i32
    %dma_wait3A_59 = tpu.memref_slice %arg4[%add3A_52, %dma_wait3A_58] : memref<8192x600xf32, #tpu.memory_space<hbm>> -> memref<32x600xf32, #tpu.memory_space<hbm>>
    %dma_wait3A_60 = tpu.memref_slice %arg8[%dma_wait3A_53] : memref<3x!tpu.dma_semaphore, #tpu.memory_space<semaphore_mem>> -> memref<1x!tpu.dma_semaphore, #tpu.memory_space<semaphore_mem>>
    %dma_wait3A_61 = tpu.memref_squeeze %dma_wait3A_60 : memref<1x!tpu.dma_semaphore, #tpu.memory_space<semaphore_mem>> -> memref<!tpu.dma_semaphore, #tpu.memory_space<semaphore_mem>>
    %dma_wait3A_62 = arith.constant 0 : i32
    %dma_wait3A_63 = tpu.memref_slice %arg4[%add3A_52, %dma_wait3A_62] : memref<8192x600xf32, #tpu.memory_space<hbm>> -> memref<32x600xf32, #tpu.memory_space<hbm>>
    %dma_wait3A_64 = arith.constant 0 : i32
    %dma_wait3A_65 = arith.constant 0 : i32
    %dma_wait3A_66 = tpu.memref_slice %arg6[%dma_wait3A, %dma_wait3A_64, %dma_wait3A_65] : memref<3x32x600xf32, #tpu.memory_space<vmem>> -> memref<1x32x600xf32, #tpu.memory_space<vmem>>
    %dma_wait3A_67 = tpu.memref_squeeze %dma_wait3A_66 : memref<1x32x600xf32, #tpu.memory_space<vmem>> -> memref<32x600xf32, #tpu.memory_space<vmem>>
    tpu.wait_dma2 semaphore(%dma_wait3A_61 : memref<!tpu.dma_semaphore, #tpu.memory_space<semaphore_mem>>) src(%dma_wait3A_67 : memref<32x600xf32, #tpu.memory_space<vmem>>) dst(%dma_wait3A_63 : memref<32x600xf32, #tpu.memory_space<hbm>>)
    return
  }
}

#map = affine_map<(d0, d1) -> (0, 0)>
#map1 = affine_map<(d0, d1) -> (0)>
module attributes {stable_mosaic.version = 14 : i64} {
  func.func @_sc_body(%arg0: i32, %arg1: i32, %arg2: memref<8192x600xf32, #tpu.memory_space<hbm>>, %arg3: memref<256xf32, #tpu.memory_space<hbm>>, %arg4: memref<8192x600xf32, #tpu.memory_space<hbm>>, %arg5: memref<256xf32, #tpu.memory_space<vmem>>, %arg6: memref<3x32x600xf32, #tpu.memory_space<vmem>>, %arg7: memref<3x!tpu.dma_semaphore, #tpu.memory_space<semaphore_mem>>, %arg8: memref<3x!tpu.dma_semaphore, #tpu.memory_space<semaphore_mem>>) attributes {dimension_semantics = [#tpu.dimension_semantics<core_parallel>, #tpu.dimension_semantics<subcore_parallel>], iteration_bounds = array<i64: 2, 16>, scalar_prefetch = 0 : i64, scratch_operands = 4 : i64, tpu.core_type = #tpu.core_type<sc_vector_subcore>, window_params = [{transform_indices = #map}, {transform_indices = #map1}, {transform_indices = #map}]} {
    %mul3A = arith.constant 2 : i32
    %mul3A_0 = arith.muli %arg1, %mul3A : i32
    %add3A = arith.addi %mul3A_0, %arg0 : i32
    %mul3A_1 = arith.constant 256 : i32
    %mul3A_2 = arith.muli %add3A, %mul3A_1 : i32
    "tpu.region"() ({
      %run_scoped3A = tpu.sem_alloc : memref<!tpu.dma_semaphore, #tpu.memory_space<semaphore_mem>>
      tpu.enqueue_dma source(%arg3 : memref<256xf32, #tpu.memory_space<hbm>>) target(%arg5 : memref<256xf32, #tpu.memory_space<vmem>>) target_semaphore(%run_scoped3A : memref<!tpu.dma_semaphore, #tpu.memory_space<semaphore_mem>>)
      tpu.wait_dma2 semaphore(%run_scoped3A : memref<!tpu.dma_semaphore, #tpu.memory_space<semaphore_mem>>) src(%arg3 : memref<256xf32, #tpu.memory_space<hbm>>) dst(%arg5 : memref<256xf32, #tpu.memory_space<vmem>>)
      tpu.yield
    }) : () -> ()
    %scan3A = arith.constant 0 : i32
    %scan3A_3 = arith.constant 0 : i32
    %scan3A_4 = arith.constant 16 : i32
    %scan3A_5 = arith.addi %scan3A_3, %scan3A_4 : i32
    %scan3A_6 = arith.constant 1 : i32
    %scan3A_7 = scf.for %scan3A_68 = %scan3A_3 to %scan3A_5 step %scan3A_6 iter_args(%scan3A_69 = %scan3A) -> (i32)  : i32 {
      %mul3A_70 = arith.constant 16 : i32
      %mul3A_71 = arith.muli %scan3A_68, %mul3A_70 : i32
      %get3A = arith.index_cast %mul3A_71 : i32 to index
      %get3A_72 = tpu.vector_load %arg5[%get3A] {strides = array<i32>} : memref<256xf32, #tpu.memory_space<vmem>>, vector<16xf32>,
      %div3A = arith.constant 1.000000e+00 : f32
      %div3A_73 = vector.broadcast %div3A : f32 to vector<16xf32>
      %div3A_74 = arith.divf %div3A_73, %get3A_72 : vector<16xf32>
      %swap3A = arith.index_cast %mul3A_71 : i32 to index
      %swap3A_75 = tpu.vector_load %arg5[%swap3A] {strides = array<i32>} : memref<256xf32, #tpu.memory_space<vmem>>, vector<16xf32>,
      tpu.vector_store %arg5[%swap3A], %div3A_74 {strides = array<i32>} : memref<256xf32, #tpu.memory_space<vmem>>, vector<16xf32>,
      %scan3A_76 = arith.constant 0 : i32
      scf.yield %scan3A_76 : i32
    }
    %scan3A_8 = arith.constant 16 : i32
    %iota3A = tpu.iota {dimensions = array<i32: 0>} : vector<16xi32>
    %add3A_9 = arith.constant 0 : i32
    %add3A_10 = arith.addi %mul3A_2, %add3A_9 : i32
    %dma_start3A = arith.constant 0 : i32
    %dma_start3A_11 = arith.constant 0 : i32
    %dma_start3A_12 = arith.constant 0 : i32
    %dma_start3A_13 = arith.constant 0 : i32
    %dma_start3A_14 = tpu.memref_slice %arg6[%dma_start3A, %dma_start3A_12, %dma_start3A_13] : memref<3x32x600xf32, #tpu.memory_space<vmem>> -> memref<1x32x600xf32, #tpu.memory_space<vmem>>
    %dma_start3A_15 = tpu.memref_squeeze %dma_start3A_14 : memref<1x32x600xf32, #tpu.memory_space<vmem>> -> memref<32x600xf32, #tpu.memory_space<vmem>>
    %dma_start3A_16 = arith.constant 0 : i32
    %dma_start3A_17 = tpu.memref_slice %arg2[%add3A_10, %dma_start3A_16] : memref<8192x600xf32, #tpu.memory_space<hbm>> -> memref<32x600xf32, #tpu.memory_space<hbm>>
    %dma_start3A_18 = tpu.memref_slice %arg7[%dma_start3A_11] : memref<3x!tpu.dma_semaphore, #tpu.memory_space<semaphore_mem>> -> memref<1x!tpu.dma_semaphore, #tpu.memory_space<semaphore_mem>>
    %dma_start3A_19 = tpu.memref_squeeze %dma_start3A_18 : memref<1x!tpu.dma_semaphore, #tpu.memory_space<semaphore_mem>> -> memref<!tpu.dma_semaphore, #tpu.memory_space<semaphore_mem>>
    %dma_start3A_20 = arith.constant 0 : i32
    %dma_start3A_21 = arith.constant 0 : i32
    %dma_start3A_22 = tpu.memref_slice %arg6[%dma_start3A, %dma_start3A_20, %dma_start3A_21] : memref<3x32x600xf32, #tpu.memory_space<vmem>> -> memref<1x32x600xf32, #tpu.memory_space<vmem>>
    %dma_start3A_23 = tpu.memref_squeeze %dma_start3A_22 : memref<1x32x600xf32, #tpu.memory_space<vmem>> -> memref<32x600xf32, #tpu.memory_space<vmem>>
    %dma_start3A_24 = arith.constant 0 : i32
    %dma_start3A_25 = tpu.memref_slice %arg2[%add3A_10, %dma_start3A_24] : memref<8192x600xf32, #tpu.memory_space<hbm>> -> memref<32x600xf32, #tpu.memory_space<hbm>>
    tpu.enqueue_dma source(%dma_start3A_25 : memref<32x600xf32, #tpu.memory_space<hbm>>) target(%dma_start3A_23 : memref<32x600xf32, #tpu.memory_space<vmem>>) target_semaphore(%dma_start3A_19 : memref<!tpu.dma_semaphore, #tpu.memory_space<semaphore_mem>>)
    %add3A_26 = arith.constant 32 : i32
    %add3A_27 = arith.addi %mul3A_2, %add3A_26 : i32
    %dma_start3A_28 = arith.constant 1 : i32
    %dma_start3A_29 = arith.constant 1 : i32
    %dma_start3A_30 = arith.constant 0 : i32
    %dma_start3A_31 = arith.constant 0 : i32
    %dma_start3A_32 = tpu.memref_slice %arg6[%dma_start3A_28, %dma_start3A_30, %dma_start3A_31] : memref<3x32x600xf32, #tpu.memory_space<vmem>> -> memref<1x32x600xf32, #tpu.memory_space<vmem>>
    %dma_start3A_33 = tpu.memref_squeeze %dma_start3A_32 : memref<1x32x600xf32, #tpu.memory_space<vmem>> -> memref<32x600xf32, #tpu.memory_space<vmem>>
    %dma_start3A_34 = arith.constant 0 : i32
    %dma_start3A_35 = tpu.memref_slice %arg2[%add3A_27, %dma_start3A_34] : memref<8192x600xf32, #tpu.memory_space<hbm>> -> memref<32x600xf32, #tpu.memory_space<hbm>>
    %dma_start3A_36 = tpu.memref_slice %arg7[%dma_start3A_29] : memref<3x!tpu.dma_semaphore, #tpu.memory_space<semaphore_mem>> -> memref<1x!tpu.dma_semaphore, #tpu.memory_space<semaphore_mem>>
    %dma_start3A_37 = tpu.memref_squeeze %dma_start3A_36 : memref<1x!tpu.dma_semaphore, #tpu.memory_space<semaphore_mem>> -> memref<!tpu.dma_semaphore, #tpu.memory_space<semaphore_mem>>
    %dma_start3A_38 = arith.constant 0 : i32
    %dma_start3A_39 = arith.constant 0 : i32
    %dma_start3A_40 = tpu.memref_slice %arg6[%dma_start3A_28, %dma_start3A_38, %dma_start3A_39] : memref<3x32x600xf32, #tpu.memory_space<vmem>> -> memref<1x32x600xf32, #tpu.memory_space<vmem>>
    %dma_start3A_41 = tpu.memref_squeeze %dma_start3A_40 : memref<1x32x600xf32, #tpu.memory_space<vmem>> -> memref<32x600xf32, #tpu.memory_space<vmem>>
    %dma_start3A_42 = arith.constant 0 : i32
    %dma_start3A_43 = tpu.memref_slice %arg2[%add3A_27, %dma_start3A_42] : memref<8192x600xf32, #tpu.memory_space<hbm>> -> memref<32x600xf32, #tpu.memory_space<hbm>>
    tpu.enqueue_dma source(%dma_start3A_43 : memref<32x600xf32, #tpu.memory_space<hbm>>) target(%dma_start3A_41 : memref<32x600xf32, #tpu.memory_space<vmem>>) target_semaphore(%dma_start3A_37 : memref<!tpu.dma_semaphore, #tpu.memory_space<semaphore_mem>>)
    %scan3A_44 = arith.constant 0 : i32
    %scan3A_45 = arith.constant 0 : i32
    %scan3A_46 = arith.constant 8 : i32
    %scan3A_47 = arith.addi %scan3A_45, %scan3A_46 : i32
    %scan3A_48 = arith.constant 1 : i32
    %scan3A_49 = scf.for %scan3A_68 = %scan3A_45 to %scan3A_47 step %scan3A_48 iter_args(%scan3A_69 = %scan3A_44) -> (i32)  : i32 {
      %jit3A = arith.constant 3 : i32
      %eq3A = arith.constant 0 : i32
      %eq3A_70 = arith.cmpi eq, %jit3A, %eq3A : i32
      %jit3A_71 = arith.constant 1 : i32
      %select_n3A = arith.select %eq3A_70, %jit3A_71, %jit3A : i32
      %rem3A = arith.remsi %scan3A_68, %select_n3A : i32
      %ne3A = arith.constant 0 : i32
      %ne3A_72 = arith.cmpi ne, %rem3A, %ne3A : i32
      %lt3A = arith.constant 0 : i32
      %lt3A_73 = arith.cmpi slt, %rem3A, %lt3A : i32
      %lt3A_74 = arith.constant 0 : i32
      %lt3A_75 = arith.cmpi slt, %select_n3A, %lt3A_74 : i32
      %ne3A_76 = arith.xori %lt3A_73, %lt3A_75 : i1
      %and3A = arith.andi %ne3A_76, %ne3A_72 : i1
      %add3A_77 = arith.addi %rem3A, %select_n3A : i32
      %select_n3A_78 = arith.select %and3A, %add3A_77, %rem3A : i32
      %mul3A_79 = arith.constant 0 : i32
      %mul3A_80 = vector.broadcast %mul3A_79 : i32 to vector<16xi32>
      %mul3A_81 = arith.muli %iota3A, %mul3A_80 : vector<16xi32>
      %add3A_82 = vector.broadcast %select_n3A_78 : i32 to vector<16xi32>
      %add3A_83 = arith.addi %mul3A_81, %add3A_82 : vector<16xi32>
      %mul3A_84 = arith.constant 32 : i32
      %mul3A_85 = arith.muli %scan3A_68, %mul3A_84 : i32
      %add3A_86 = arith.addi %mul3A_2, %mul3A_85 : i32
      %dma_wait3A_87 = arith.constant 0 : i32
      %dma_wait3A_88 = arith.constant 0 : i32
      %dma_wait3A_89 = tpu.memref_slice %arg6[%select_n3A_78, %dma_wait3A_87, %dma_wait3A_88] : memref<3x32x600xf32, #tpu.memory_space<vmem>> -> memref<1x32x600xf32, #tpu.memory_space<vmem>>
      %dma_wait3A_90 = tpu.memref_squeeze %dma_wait3A_89 : memref<1x32x600xf32, #tpu.memory_space<vmem>> -> memref<32x600xf32, #tpu.memory_space<vmem>>
      %dma_wait3A_91 = arith.constant 0 : i32
      %dma_wait3A_92 = tpu.memref_slice %arg2[%add3A_86, %dma_wait3A_91] : memref<8192x600xf32, #tpu.memory_space<hbm>> -> memref<32x600xf32, #tpu.memory_space<hbm>>
      %dma_wait3A_93 = tpu.memref_slice %arg7[%select_n3A_78] : memref<3x!tpu.dma_semaphore, #tpu.memory_space<semaphore_mem>> -> memref<1x!tpu.dma_semaphore, #tpu.memory_space<semaphore_mem>>
      %dma_wait3A_94 = tpu.memref_squeeze %dma_wait3A_93 : memref<1x!tpu.dma_semaphore, #tpu.memory_space<semaphore_mem>> -> memref<!tpu.dma_semaphore, #tpu.memory_space<semaphore_mem>>
      %dma_wait3A_95 = arith.constant 0 : i32
      %dma_wait3A_96 = arith.constant 0 : i32
      %dma_wait3A_97 = tpu.memref_slice %arg6[%select_n3A_78, %dma_wait3A_95, %dma_wait3A_96] : memref<3x32x600xf32, #tpu.memory_space<vmem>> -> memref<1x32x600xf32, #tpu.memory_space<vmem>>
      %dma_wait3A_98 = tpu.memref_squeeze %dma_wait3A_97 : memref<1x32x600xf32, #tpu.memory_space<vmem>> -> memref<32x600xf32, #tpu.memory_space<vmem>>
      %dma_wait3A_99 = arith.constant 0 : i32
      %dma_wait3A_100 = tpu.memref_slice %arg2[%add3A_86, %dma_wait3A_99] : memref<8192x600xf32, #tpu.memory_space<hbm>> -> memref<32x600xf32, #tpu.memory_space<hbm>>
      tpu.wait_dma2 semaphore(%dma_wait3A_94 : memref<!tpu.dma_semaphore, #tpu.memory_space<semaphore_mem>>) src(%dma_wait3A_100 : memref<32x600xf32, #tpu.memory_space<hbm>>) dst(%dma_wait3A_98 : memref<32x600xf32, #tpu.memory_space<vmem>>)
      %mul3A_101 = arith.constant 0 : i32
      %mul3A_102 = vector.broadcast %mul3A_101 : i32 to vector<16xi32>
      %mul3A_103 = arith.muli %iota3A, %mul3A_102 : vector<16xi32>
      %scan3A_104 = arith.constant 0 : i32
      %scan3A_105 = arith.constant 400 : i32
      %scan3A_106 = arith.addi %scan3A_104, %scan3A_105 : i32
      %scan3A_107 = arith.constant 1 : i32
      %scan3A_108:2 = scf.for %scan3A_155 = %scan3A_104 to %scan3A_106 step %scan3A_107 iter_args(%scan3A_156 = %mul3A_103, %scan3A_157 = %iota3A) -> (vector<16xi32>, vector<16xi32>)  : i32 {
        %mul3A_158 = arith.constant 3 : i32
        %mul3A_159 = vector.broadcast %mul3A_158 : i32 to vector<16xi32>
        %mul3A_160 = arith.muli %scan3A_157, %mul3A_159 : vector<16xi32>
        %add3A_161 = arith.constant 1 : i32
        %add3A_162 = vector.broadcast %add3A_161 : i32 to vector<16xi32>
        %add3A_163 = arith.addi %mul3A_160, %add3A_162 : vector<16xi32>
        %gather3A = tpu.vector_load_idx %arg6[%add3A_83, %scan3A_156, %add3A_163] : memref<3x32x600xf32, #tpu.memory_space<vmem>>[vector<16xi32>, vector<16xi32>, vector<16xi32>], vector<16xf32>,
        %convert_element_type3A_164 = arith.fptosi %gather3A : vector<16xf32> to vector<16xi32>
        %gather3A_165 = tpu.vector_load_idx %arg5[%convert_element_type3A_164] : memref<256xf32, #tpu.memory_space<vmem>>[vector<16xi32>], vector<16xf32>,
        %add3A_166 = arith.constant 1 : i32
        %add3A_167 = vector.broadcast %add3A_166 : i32 to vector<16xi32>
        %add3A_168 = arith.addi %add3A_163, %add3A_167 : vector<16xi32>
        %gather3A_169 = tpu.vector_load_idx %arg6[%add3A_83, %scan3A_156, %add3A_168] : memref<3x32x600xf32, #tpu.memory_space<vmem>>[vector<16xi32>, vector<16xi32>, vector<16xi32>], vector<16xf32>,
        %add3A_170 = arith.constant 1 : i32
        %add3A_171 = vector.broadcast %add3A_170 : i32 to vector<16xi32>
        %add3A_172 = arith.addi %add3A_163, %add3A_171 : vector<16xi32>
        %mul3A_173 = arith.mulf %gather3A_169, %gather3A_165 : vector<16xf32>
        tpu.vector_store_idx %arg6[%add3A_83, %scan3A_156, %add3A_172], %mul3A_173 : memref<3x32x600xf32, #tpu.memory_space<vmem>>[vector<16xi32>, vector<16xi32>, vector<16xi32>], vector<16xf32>,
        %add3A_174 = arith.constant 16 : i32
        %add3A_175 = vector.broadcast %add3A_174 : i32 to vector<16xi32>
        %add3A_176 = arith.addi %scan3A_157, %add3A_175 : vector<16xi32>
        %ge3A_177 = arith.constant 200 : i32
        %ge3A_178 = vector.broadcast %ge3A_177 : i32 to vector<16xi32>
        %ge3A_179 = arith.cmpi sge, %add3A_176, %ge3A_178 : vector<16xi32>
        %add3A_180 = arith.constant 1 : i32
        %add3A_181 = vector.broadcast %add3A_180 : i32 to vector<16xi32>
        %add3A_182 = arith.addi %scan3A_156, %add3A_181 : vector<16xi32>
        %select_n3A_183 = arith.select %ge3A_179, %add3A_182, %scan3A_156 : vector<16xi1>, vector<16xi32>
        %sub3A = arith.constant 200 : i32
        %sub3A_184 = vector.broadcast %sub3A : i32 to vector<16xi32>
        %sub3A_185 = arith.subi %add3A_176, %sub3A_184 : vector<16xi32>
        %select_n3A_186 = arith.select %ge3A_179, %sub3A_185, %add3A_176 : vector<16xi1>, vector<16xi32>
        scf.yield %select_n3A_183, %select_n3A_186 : vector<16xi32>, vector<16xi32>
      }
      %scan3A_109 = arith.constant 400 : i32
      %mul3A_110 = arith.constant 32 : i32
      %mul3A_111 = arith.muli %scan3A_68, %mul3A_110 : i32
      %add3A_112 = arith.addi %mul3A_2, %mul3A_111 : i32
      %dma_start3A_113 = arith.constant 0 : i32
      %dma_start3A_114 = arith.constant 0 : i32
      %dma_start3A_115 = tpu.memref_slice %arg6[%select_n3A_78, %dma_start3A_113, %dma_start3A_114] : memref<3x32x600xf32, #tpu.memory_space<vmem>> -> memref<1x32x600xf32, #tpu.memory_space<vmem>>
      %dma_start3A_116 = tpu.memref_squeeze %dma_start3A_115 : memref<1x32x600xf32, #tpu.memory_space<vmem>> -> memref<32x600xf32, #tpu.memory_space<vmem>>
      %dma_start3A_117 = arith.constant 0 : i32
      %dma_start3A_118 = tpu.memref_slice %arg4[%add3A_112, %dma_start3A_117] : memref<8192x600xf32, #tpu.memory_space<hbm>> -> memref<32x600xf32, #tpu.memory_space<hbm>>
      %dma_start3A_119 = tpu.memref_slice %arg8[%select_n3A_78] : memref<3x!tpu.dma_semaphore, #tpu.memory_space<semaphore_mem>> -> memref<1x!tpu.dma_semaphore, #tpu.memory_space<semaphore_mem>>
      %dma_start3A_120 = tpu.memref_squeeze %dma_start3A_119 : memref<1x!tpu.dma_semaphore, #tpu.memory_space<semaphore_mem>> -> memref<!tpu.dma_semaphore, #tpu.memory_space<semaphore_mem>>
      %dma_start3A_121 = arith.constant 0 : i32
      %dma_start3A_122 = tpu.memref_slice %arg4[%add3A_112, %dma_start3A_121] : memref<8192x600xf32, #tpu.memory_space<hbm>> -> memref<32x600xf32, #tpu.memory_space<hbm>>
      %dma_start3A_123 = arith.constant 0 : i32
      %dma_start3A_124 = arith.constant 0 : i32
      %dma_start3A_125 = tpu.memref_slice %arg6[%select_n3A_78, %dma_start3A_123, %dma_start3A_124] : memref<3x32x600xf32, #tpu.memory_space<vmem>> -> memref<1x32x600xf32, #tpu.memory_space<vmem>>
      %dma_start3A_126 = tpu.memref_squeeze %dma_start3A_125 : memref<1x32x600xf32, #tpu.memory_space<vmem>> -> memref<32x600xf32, #tpu.memory_space<vmem>>
      tpu.enqueue_dma source(%dma_start3A_126 : memref<32x600xf32, #tpu.memory_space<vmem>>) target(%dma_start3A_122 : memref<32x600xf32, #tpu.memory_space<hbm>>) target_semaphore(%dma_start3A_120 : memref<!tpu.dma_semaphore, #tpu.memory_space<semaphore_mem>>)
      %add3A_127 = arith.constant 2 : i32
      %add3A_128 = arith.addi %scan3A_68, %add3A_127 : i32
      %jit3A_129 = arith.constant 3 : i32
      %eq3A_130 = arith.constant 0 : i32
      %eq3A_131 = arith.cmpi eq, %jit3A_129, %eq3A_130 : i32
      %jit3A_132 = arith.constant 1 : i32
      %select_n3A_133 = arith.select %eq3A_131, %jit3A_132, %jit3A_129 : i32
      %rem3A_134 = arith.remsi %add3A_128, %select_n3A_133 : i32
      %ne3A_135 = arith.constant 0 : i32
      %ne3A_136 = arith.cmpi ne, %rem3A_134, %ne3A_135 : i32
      %lt3A_137 = arith.constant 0 : i32
      %lt3A_138 = arith.cmpi slt, %rem3A_134, %lt3A_137 : i32
      %lt3A_139 = arith.constant 0 : i32
      %lt3A_140 = arith.cmpi slt, %select_n3A_133, %lt3A_139 : i32
      %ne3A_141 = arith.xori %lt3A_138, %lt3A_140 : i1
      %and3A_142 = arith.andi %ne3A_141, %ne3A_136 : i1
      %add3A_143 = arith.addi %rem3A_134, %select_n3A_133 : i32
      %select_n3A_144 = arith.select %and3A_142, %add3A_143, %rem3A_134 : i32
      %ge3A = arith.constant 1 : i32
      %ge3A_145 = arith.cmpi sge, %scan3A_68, %ge3A : i32
      %convert_element_type3A = arith.extui %ge3A_145 : i1 to i32
      %cond3A = arith.constant 0 : i32
      %cond3A_146 = arith.cmpi ne, %convert_element_type3A, %cond3A : i32
      scf.if %cond3A_146 {
        %sub3A = arith.constant 1 : i32
        %sub3A_155 = arith.subi %scan3A_68, %sub3A : i32
        %mul3A_156 = arith.constant 32 : i32
        %mul3A_157 = arith.muli %sub3A_155, %mul3A_156 : i32
        %add3A_158 = arith.addi %mul3A_2, %mul3A_157 : i32
        %dma_wait3A_159 = arith.constant 0 : i32
        %dma_wait3A_160 = arith.constant 0 : i32
        %dma_wait3A_161 = tpu.memref_slice %arg6[%select_n3A_144, %dma_wait3A_159, %dma_wait3A_160] : memref<3x32x600xf32, #tpu.memory_space<vmem>> -> memref<1x32x600xf32, #tpu.memory_space<vmem>>
        %dma_wait3A_162 = tpu.memref_squeeze %dma_wait3A_161 : memref<1x32x600xf32, #tpu.memory_space<vmem>> -> memref<32x600xf32, #tpu.memory_space<vmem>>
        %dma_wait3A_163 = arith.constant 0 : i32
        %dma_wait3A_164 = tpu.memref_slice %arg4[%add3A_158, %dma_wait3A_163] : memref<8192x600xf32, #tpu.memory_space<hbm>> -> memref<32x600xf32, #tpu.memory_space<hbm>>
        %dma_wait3A_165 = tpu.memref_slice %arg8[%select_n3A_144] : memref<3x!tpu.dma_semaphore, #tpu.memory_space<semaphore_mem>> -> memref<1x!tpu.dma_semaphore, #tpu.memory_space<semaphore_mem>>
        %dma_wait3A_166 = tpu.memref_squeeze %dma_wait3A_165 : memref<1x!tpu.dma_semaphore, #tpu.memory_space<semaphore_mem>> -> memref<!tpu.dma_semaphore, #tpu.memory_space<semaphore_mem>>
        %dma_wait3A_167 = arith.constant 0 : i32
        %dma_wait3A_168 = tpu.memref_slice %arg4[%add3A_158, %dma_wait3A_167] : memref<8192x600xf32, #tpu.memory_space<hbm>> -> memref<32x600xf32, #tpu.memory_space<hbm>>
        %dma_wait3A_169 = arith.constant 0 : i32
        %dma_wait3A_170 = arith.constant 0 : i32
        %dma_wait3A_171 = tpu.memref_slice %arg6[%select_n3A_144, %dma_wait3A_169, %dma_wait3A_170] : memref<3x32x600xf32, #tpu.memory_space<vmem>> -> memref<1x32x600xf32, #tpu.memory_space<vmem>>
        %dma_wait3A_172 = tpu.memref_squeeze %dma_wait3A_171 : memref<1x32x600xf32, #tpu.memory_space<vmem>> -> memref<32x600xf32, #tpu.memory_space<vmem>>
        tpu.wait_dma2 semaphore(%dma_wait3A_166 : memref<!tpu.dma_semaphore, #tpu.memory_space<semaphore_mem>>) src(%dma_wait3A_172 : memref<32x600xf32, #tpu.memory_space<vmem>>) dst(%dma_wait3A_168 : memref<32x600xf32, #tpu.memory_space<hbm>>)
      } else {
      }
      %add3A_147 = arith.constant 2 : i32
      %add3A_148 = arith.addi %scan3A_68, %add3A_147 : i32
      %lt3A_149 = arith.constant 8 : i32
      %lt3A_150 = arith.cmpi slt, %add3A_148, %lt3A_149 : i32
      %convert_element_type3A_151 = arith.extui %lt3A_150 : i1 to i32
      %cond3A_152 = arith.constant 0 : i32
      %cond3A_153 = arith.cmpi ne, %convert_element_type3A_151, %cond3A_152 : i32
      scf.if %cond3A_153 {
        %add3A_155 = arith.constant 2 : i32
        %add3A_156 = arith.addi %scan3A_68, %add3A_155 : i32
        %mul3A_157 = arith.constant 32 : i32
        %mul3A_158 = arith.muli %add3A_156, %mul3A_157 : i32
        %add3A_159 = arith.addi %mul3A_2, %mul3A_158 : i32
        %dma_start3A_160 = arith.constant 0 : i32
        %dma_start3A_161 = arith.constant 0 : i32
        %dma_start3A_162 = tpu.memref_slice %arg6[%select_n3A_144, %dma_start3A_160, %dma_start3A_161] : memref<3x32x600xf32, #tpu.memory_space<vmem>> -> memref<1x32x600xf32, #tpu.memory_space<vmem>>
        %dma_start3A_163 = tpu.memref_squeeze %dma_start3A_162 : memref<1x32x600xf32, #tpu.memory_space<vmem>> -> memref<32x600xf32, #tpu.memory_space<vmem>>
        %dma_start3A_164 = arith.constant 0 : i32
        %dma_start3A_165 = tpu.memref_slice %arg2[%add3A_159, %dma_start3A_164] : memref<8192x600xf32, #tpu.memory_space<hbm>> -> memref<32x600xf32, #tpu.memory_space<hbm>>
        %dma_start3A_166 = tpu.memref_slice %arg7[%select_n3A_144] : memref<3x!tpu.dma_semaphore, #tpu.memory_space<semaphore_mem>> -> memref<1x!tpu.dma_semaphore, #tpu.memory_space<semaphore_mem>>
        %dma_start3A_167 = tpu.memref_squeeze %dma_start3A_166 : memref<1x!tpu.dma_semaphore, #tpu.memory_space<semaphore_mem>> -> memref<!tpu.dma_semaphore, #tpu.memory_space<semaphore_mem>>
        %dma_start3A_168 = arith.constant 0 : i32
        %dma_start3A_169 = arith.constant 0 : i32
        %dma_start3A_170 = tpu.memref_slice %arg6[%select_n3A_144, %dma_start3A_168, %dma_start3A_169] : memref<3x32x600xf32, #tpu.memory_space<vmem>> -> memref<1x32x600xf32, #tpu.memory_space<vmem>>
        %dma_start3A_171 = tpu.memref_squeeze %dma_start3A_170 : memref<1x32x600xf32, #tpu.memory_space<vmem>> -> memref<32x600xf32, #tpu.memory_space<vmem>>
        %dma_start3A_172 = arith.constant 0 : i32
        %dma_start3A_173 = tpu.memref_slice %arg2[%add3A_159, %dma_start3A_172] : memref<8192x600xf32, #tpu.memory_space<hbm>> -> memref<32x600xf32, #tpu.memory_space<hbm>>
        tpu.enqueue_dma source(%dma_start3A_173 : memref<32x600xf32, #tpu.memory_space<hbm>>) target(%dma_start3A_171 : memref<32x600xf32, #tpu.memory_space<vmem>>) target_semaphore(%dma_start3A_167 : memref<!tpu.dma_semaphore, #tpu.memory_space<semaphore_mem>>)
      } else {
      }
      %scan3A_154 = arith.constant 0 : i32
      scf.yield %scan3A_154 : i32
    }
    %scan3A_50 = arith.constant 8 : i32
    %add3A_51 = arith.constant 224 : i32
    %add3A_52 = arith.addi %mul3A_2, %add3A_51 : i32
    %dma_wait3A = arith.constant 1 : i32
    %dma_wait3A_53 = arith.constant 1 : i32
    %dma_wait3A_54 = arith.constant 0 : i32
    %dma_wait3A_55 = arith.constant 0 : i32
    %dma_wait3A_56 = tpu.memref_slice %arg6[%dma_wait3A, %dma_wait3A_54, %dma_wait3A_55] : memref<3x32x600xf32, #tpu.memory_space<vmem>> -> memref<1x32x600xf32, #tpu.memory_space<vmem>>
    %dma_wait3A_57 = tpu.memref_squeeze %dma_wait3A_56 : memref<1x32x600xf32, #tpu.memory_space<vmem>> -> memref<32x600xf32, #tpu.memory_space<vmem>>
    %dma_wait3A_58 = arith.constant 0 : i32
    %dma_wait3A_59 = tpu.memref_slice %arg4[%add3A_52, %dma_wait3A_58] : memref<8192x600xf32, #tpu.memory_space<hbm>> -> memref<32x600xf32, #tpu.memory_space<hbm>>
    %dma_wait3A_60 = tpu.memref_slice %arg8[%dma_wait3A_53] : memref<3x!tpu.dma_semaphore, #tpu.memory_space<semaphore_mem>> -> memref<1x!tpu.dma_semaphore, #tpu.memory_space<semaphore_mem>>
    %dma_wait3A_61 = tpu.memref_squeeze %dma_wait3A_60 : memref<1x!tpu.dma_semaphore, #tpu.memory_space<semaphore_mem>> -> memref<!tpu.dma_semaphore, #tpu.memory_space<semaphore_mem>>
    %dma_wait3A_62 = arith.constant 0 : i32
    %dma_wait3A_63 = tpu.memref_slice %arg4[%add3A_52, %dma_wait3A_62] : memref<8192x600xf32, #tpu.memory_space<hbm>> -> memref<32x600xf32, #tpu.memory_space<hbm>>
    %dma_wait3A_64 = arith.constant 0 : i32
    %dma_wait3A_65 = arith.constant 0 : i32
    %dma_wait3A_66 = tpu.memref_slice %arg6[%dma_wait3A, %dma_wait3A_64, %dma_wait3A_65] : memref<3x32x600xf32, #tpu.memory_space<vmem>> -> memref<1x32x600xf32, #tpu.memory_space<vmem>>
    %dma_wait3A_67 = tpu.memref_squeeze %dma_wait3A_66 : memref<1x32x600xf32, #tpu.memory_space<vmem>> -> memref<32x600xf32, #tpu.memory_space<vmem>>
    tpu.wait_dma2 semaphore(%dma_wait3A_61 : memref<!tpu.dma_semaphore, #tpu.memory_space<semaphore_mem>>) src(%dma_wait3A_67 : memref<32x600xf32, #tpu.memory_space<vmem>>) dst(%dma_wait3A_63 : memref<32x600xf32, #tpu.memory_space<hbm>>)
    return
  }
}

</mosaic_0001>

<sc_bundles>
// kernel: kernel.4.cloned.1.call-start
scs
__scs_entry_jumppad:
0x0: {  	(pc) =	sbr.rel $0x88, $3  }
0x1: {  	(tag) =	ssettag $0x0;
	lr =	simm.s32 $0x1  }
0x2: {  	[smem:$0x3F9F] =	sst lr;
	_ =	strace $0xD0000000  }
0x3: {  	_ = 	snop  }
0x4: {  	_ = 	snop  }
0x5: {  	_ = 	snop  }
0x6: {  	_ = 	snop  }
0x7: {  	_ = 	snop  }
__scs_overlays_trampoline_lowered:
0x8: {  	[smem:$0x3FAE] =	sst s0  }
0x9: {  	[smem:$0x3FAF] =	sst s1  }
0xa: {  	[smem:$0x3FB0] =	sst s2  }
0xb: {  	[smem:$0x3FB1] =	sst s3  }
0xc: {  	[smem:$0x3FB2] =	sst s4  }
0xd: {  	[smem:$0x3FB3] =	sst s5  }
0xe: {  	[smem:$0x3FB4] =	sst s6  }
0xf: {  	[smem:$0x3FB5] =	sst s7  }
0x10: {  	[smem:$0x3FB6] =	sst s8  }
0x11: {  	[smem:$0x3FB7] =	sst s9;
	s0 =	simm.s32 @!p0 $0x0  }
0x12: {  	s1 =	sld [smem:$0x3F9D];
	s0 =	simm.s32 @p0 $0x1  }
0x13: {  	[smem:$0x3FB8] =	sst s0;
	s0 =	simm.s32 @!p1 $0x0  }
0x14: {  	s2 =	sld [smem:$0x3F9C];
	s0 =	simm.s32 @p1 $0x1  }
0x15: {  	[smem:$0x3FB9] =	sst s0;
	s0 =	simm.s32 @!p2 $0x0  }
0x16: {  	s3 =	sld [smem:$0x3FDB];
	s0 =	simm.s32 @p2 $0x1  }
0x17: {  	s4 =	simm.s32 $0x1BF5;
	[smem:$0x3FBB] =	sst s0  }
0x18: {  	s0 =	sld [smem:$0x3F9E];
	_ =	swait.ge [sflag:s4], $0x0  }
0x19: {  	s7 =	sld [smem:$0x3F9F]  }
0x1a: {  	s8 =	sadd.s32 $0xFFFFE003, lr  }
0x1b: {  	s9 =	sadd.s32 $0xFFFFFEF7, lr;
	s5 =	simm.s32 $0xFFFFFFFF;
	p2 =	slt.u32 s8, $0xFFFFF086  }
0x1c: {  	p1 =	slt.u32 s9, $0xF7A;
	s5 =	simm.s32 @!p2 $0x0  }
0x1d: {  	s5 =	simm.s32 @p1 $0x1;
	p0 =	seq.s32 s7, s2  }
0x1e: {  	s7 =	smul.u32 @!p0 $0xF7A, s2;
	p2 =	seq.s32 @!p0 s5, $0x0  }
0x1f: {  	s9 =	smul.u32 $0xF7A, s1;
	s8 =	simm.s32 @!p0 $0x1BF5;
	p2 =	por !p2, p0  }
0x20: {  	[sflag:s8] =	ssyncset.s32 @!p0 $0xFFFFF086;
	s6 =	sadd.s32 @!p0 s3, s7;
	s7 =	simm.s32 @!p0 $0x108  }
0x21: {  	s3 =	sadd.s32 s3, s9;
	s6 =	sadd.s32 @!p0 $0x88, s6;
	s7 =	simm.s32 @p2 $0x1082  }
0x22: {  	[simem:s7], [sflag:s8] =	dma.local @!p0 [hbm:s6], $0xF7A  }
0x23: {  	s9 =	sor.u32 $0xD0000000, s2;
	s6 =	simm.s32 $0x108;
	_ =	swait.ge @!p0 [sflag:s8], $0x0  }
0x24: {  	s3 =	sadd.s32 $0x88, s3;
	s6 =	simm.s32 @!p1 $0x1082;
	[sflag:s4] =	ssyncset.s32 $0xFFFFF086  }
0x25: {  	[simem:s6], [sflag:s4] =	dma.local [hbm:s3], $0xF7A  }
0x26: {  	[smem:$0x3F9F] =	sst s1;
	(tag) =	ssettag s2;
	_ =	strace s9  }
0x27: {  	s1 =	sld [smem:$0x3FAF]  }
0x28: {  	s2 =	sld [smem:$0x3FB0]  }
0x29: {  	s4 =	sld [smem:$0x3FB2]  }
0x2a: {  	p0 =	seq.s32 s5, $0x0;
	s5 =	sld [smem:$0x3FB3]  }
0x2b: {  	s6 =	sld [smem:$0x3FB4]  }
0x2c: {  	s7 =	sld [smem:$0x3FB5]  }
0x2d: {  	s3 =	simm.s32 $0x108;
	s8 =	sld [smem:$0x3FB6]  }
0x2e: {  	s3 =	simm.s32 @!p0 $0x1082;
	s9 =	sld [smem:$0x3FB7]  }
0x2f: {  	lr =	sadd.s32 s0, s3;
	s0 =	sld [smem:$0x3FAE]  }
0x30: {  	s3 =	sld [smem:$0x3FB1]  }
0x31: {  	[smem:$0x3FBA] =	sst s10  }
0x32: {  	s10 =	sld [smem:$0x3FB8];
	_ =	sdelay $0x3  }
0x33: {  	p0 =	seq.s32 s10, $0x1;
	s10 =	sld [smem:$0x3FBA];
	_ =	sdelay $0x3  }
0x34: {  	[smem:$0x3FBA] =	sst s10  }
0x35: {  	s10 =	sld [smem:$0x3FB9];
	_ =	sdelay $0x3  }
0x36: {  	p1 =	seq.s32 s10, $0x1;
	s10 =	sld [smem:$0x3FBA];
	_ =	sdelay $0x3  }
0x37: {  	[smem:$0x3FBA] =	sst s10  }
0x38: {  	s10 =	sld [smem:$0x3FBB]  }
0x39: {  	_ = 	snop;
	(pc) =	sbr.ind lr, $3  }
0x3a: {  	_ = 	snop  }
0x3b: {  	_ = 	snop  }
0x3c: {  	p2 =	seq.s32 s10, $0x1;
	s10 =	sld [smem:$0x3FBA]  }
0x3d: {  	_ =	shalt  }
0x3e: {  	_ =	shalt  }
0x3f: {  	_ =	shalt  }
0x40: {  	_ =	shalt  }
0x41: {  	_ =	shalt  }
0x42: {  	_ =	shalt  }
0x43: {  	_ =	shalt  }
0x44: {  	_ =	shalt  }
0x45: {  	_ =	shalt  }
0x46: {  	_ =	shalt  }
0x47: {  	_ =	shalt  }
0x48: {  	_ =	shalt  }
0x49: {  	_ =	shalt  }
0x4a: {  	_ =	shalt  }
0x4b: {  	_ =	shalt  }
0x4c: {  	_ =	shalt  }
0x4d: {  	_ =	shalt  }
0x4e: {  	_ =	shalt  }
0x4f: {  	_ =	shalt  }
0x50: {  	_ =	shalt  }
0x51: {  	_ =	shalt  }
0x52: {  	_ =	shalt  }
0x53: {  	_ =	shalt  }
0x54: {  	_ =	shalt  }
0x55: {  	_ =	shalt  }
0x56: {  	_ =	shalt  }
0x57: {  	_ =	shalt  }
0x58: {  	_ =	shalt  }
0x59: {  	_ =	shalt  }
0x5a: {  	_ =	shalt  }
0x5b: {  	_ =	shalt  }
0x5c: {  	_ =	shalt  }
0x5d: {  	_ =	shalt  }
0x5e: {  	_ =	shalt  }
0x5f: {  	_ =	shalt  }
0x60: {  	_ =	shalt  }
0x61: {  	_ =	shalt  }
0x62: {  	_ =	shalt  }
0x63: {  	_ =	shalt  }
0x64: {  	_ =	shalt  }
0x65: {  	_ =	shalt  }
0x66: {  	_ =	shalt  }
0x67: {  	_ =	shalt  }
0x68: {  	_ =	shalt  }
0x69: {  	_ =	shalt  }
0x6a: {  	_ =	shalt  }
0x6b: {  	_ =	shalt  }
0x6c: {  	_ =	shalt  }
0x6d: {  	_ =	shalt  }
0x6e: {  	_ =	shalt  }
0x6f: {  	_ =	shalt  }
0x70: {  	_ =	shalt  }
0x71: {  	_ =	shalt  }
0x72: {  	_ =	shalt  }
0x73: {  	_ =	shalt  }
0x74: {  	_ =	shalt  }
0x75: {  	_ =	shalt  }
0x76: {  	_ =	shalt  }
0x77: {  	_ =	shalt  }
0x78: {  	_ =	shalt  }
0x79: {  	_ =	shalt  }
0x7a: {  	_ =	shalt  }
0x7b: {  	_ =	shalt  }
0x7c: {  	_ =	shalt  }
0x7d: {  	_ =	shalt  }
0x7e: {  	_ =	shalt  }
0x7f: {  	_ =	shalt  }
0x80: {  	_ =	shalt  }
0x81: {  	_ =	shalt  }
0x82: {  	_ =	shalt  }
0x83: {  	_ =	shalt  }
0x84: {  	_ =	shalt  }
0x85: {  	_ =	shalt  }
0x86: {  	_ =	shalt  }
0x87: {  	_ =	shalt  }
.Lfunc_end0:
.L_simem_size_0:
called_computation.1_lowered:
.L_overlay_start_0:
0x88: {  	s2 =	sld [smem:$0x3FD9]  }
0x89: {  	s3 =	sld [smem:$0x3FFE];
	_ =	sdelay $0x1  }
0x8a: {  	s1 =	srdreg.scid  }
0x8b: {  	s0 =	sand.u32 $0x1, s1  }
0x8c: {  	s17 =	sshll.u32 s0, $0xA;
	s2 =	sadd.s32 s3, s2  }
0x8d: {  	s2 =	sadd.s32 s2, s17  }
0x8e: {  	[smem:$0x3FC6] =	sst s2  }
0x8f: {  	_ = 	snop  }
0x90: {  	s2 =	sld [smem:$0x3FC8];
	(tm) =	ssettm $0x1  }
0x91: {  	s18 =	sld [smem:$0x3FFB];
	_ =	sdelay $0x3  }
0x92: {  	_ =	strace s18  }
0x93: {  	s3 =	sld [smem:$0x3FFC];
	_ =	sdelay $0x3  }
0x94: {  	_ =	strace s3  }
0x95: {  	s3 =	sld [smem:$0x3FFD];
	_ =	sdelay $0x3  }
0x96: {  	_ =	strace s3  }
0x97: {  	_ =	strace $0x8FFFFFFF  }
0x98: {  	s19 =	sld [smem:$0x3FDB];
	_ =	sdelay $0x1  }
0x99: {  	s4 =	simm.s32 $_scs_section_size  }
0x9a: {  	s5 =	simm.s32 $_size__tile_overlayer_lowered;
	s6 =	simm.s32 $_tile_overlayer_lowered  }
0x9b: {  	s22 =	simm.s32 $0x1BFF;
	s21 =	sshll.u32 s6, $0x1;
	s3 =	sadd.s32 s4, s19  }
0x9c: {  	s7 =	simm.s32 $0x0;
	s20 =	sshll.u32 s5, $0x1;
	s5 =	sadd.s32 s21, s3  }
0x9d: {  	[timem:s7], [sflag:s22] =	dma.local [hbm:s5], s20  }
0x9e: {  	_ =	swait.ge [sflag:s22], s20  }
0x9f: {  	s4 =	ssub.s32 $0x0, s20;
	[sflag:s22] =	ssyncset.done $0x0  }
0xa0: {  	[sflag:s22] =	ssyncadd.s32 s4;
	_ =	sdelay $0x1  }
0xa1: {  	s23 =	simm.s32 $0x1B8B  }
0xa2: {  	_ =	swait.ge [sflag:s23], $0x1  }
0xa3: {  	[sflag:s23] =	ssyncset.done $0x0  }
0xa4: {  	s25 =	simm.s32 $0x1B8E;
	s24 =	sld [smem:$0x3FFE];
	[sflag:s23] =	ssyncadd.s32 $0xFFFFFFFF  }
0xa5: {  	s26 =	simm.s32 $execute0_lowered;
	[smem:$0x3FD2] =	sst s25  }
0xa6: {  	s5 =	sshll.u32 s26, $0x1;
	_ =	strace $0x80000046;
	[dreg:$0x1] =	wrdreg $0xFFFFFFFF  }
0xa7: {  	s28 =	simm.s32 $_size_execute0_lowered;
	s3 =	sadd.s32 s3, s5;
	[dreg:$0x0] =	wrdreg $0x0  }
0xa8: {  	s5 =	sshll.u32 s28, $0x1;
	[dreg:$0x2] =	wrdreg s3  }
0xa9: {  	[dreg:$0x3] =	wrdreg s5  }
0xaa: {  	[dreg:$0x4] =	wrdreg $0xC0  }
0xab: {  	_ =	task [dreg:s7], $0x5FFFF  }
0xac: {  	[dreg:$0x1] =	wrdreg $0xFFFFFFFF  }
0xad: {  	[dreg:$0x0] =	wrdreg $0x60  }
0xae: {  	[dreg:$0x2] =	wrdreg s24  }
0xaf: {  	[dreg:$0x3] =	wrdreg s2  }
0xb0: {  	[dreg:$0x4] =	wrdreg $0x9  }
0xb1: {  	_ =	task.clear_ibuf [dreg:s7], $0x5FFFF;
	_ =	strace $0x90000046  }
0xb2: {  	s29 =	simm.s32 $0x9;
	_ =	strace $0x80000048  }
0xb3: {  	_ =	swait.ge [sflag:s29], $0x1  }
0xb4: {  	[sflag:s29] =	ssyncadd.s32 $0xFFFFFFFF  }
0xb5: {  	_ =	strace $0x90000048  }
0xb6: {  	_ =	sfence  }
0xb7: {  	s30 =	sld [smem:$0x0];
	_ =	sdelay $0x2  }
0xb8: {  	s31 =	sshll.u32 s1, $0xD;
	s1 =	sshrl.u32 s1, $0x2  }
0xb9: {  	s3 =	sand.u32 $0x4000, s31;
	s1 =	sadd.s32 s1, s30  }
0xba: {  	s0 =	sor.u32 s3, s0;
	s1 =	sshll.u32 s1, $0x11  }
0xbb: {  	s0 =	sor.u32 s1, s0  }
0xbc: {  	s0 =	sadd.s32 $0x8F2B, s0  }
0xbd: {  	[sflag:s0] =	ssyncadd.remote.s32 $0x1  }
0xbe: {  	_ =	sfence.sel $0xFFFF  }
0xbf: {  	[dreg:$0x0] =	wrdreg $0xFFFFFFFF;
	(pc) =	sbr.abs _section_cstart, $3  }
0xc0: {  	[dreg:$0x1] =	wrdreg $0xFFFFFFFF  }
0xc1: {  	_ =	task.clear_ibuf [dreg:s7], $0x2FFFF;
	_ =	strace $0x9FFFFFFF  }
0xc2: {  	(tm) =	ssettm $0x7FFFFFFF  }
0xc3: {  	_ =	shalt  }
tec
execute0_lowered:
.L_overlay_start_1:
0x0: {  	(tag) =	ssettag $0x1  }
0x1: {  	s1 =	srdreg.scid  }
0x2: {  	s0 =	stileid.u32;
	s7 =	rddreg [dreg:$0x0]  }
0x3: {  	s3 =	rddreg [dreg:$0x1];
	s4 =	simm.s32 $0x0;
	s6 =	sand.u32 $0x1, s1  }
0x4: {  	s11 =	simm.s32 $0x100;
	s31 =	sshll.u32 s0, $0x9;
	s2 =	sshll.u32 s6, $0x8  }
0x5: {  	s12 =	simm.s32 $0x5100;
	s13 =	simm.s32 $0x5;
	s2 =	sor.u32 s2, s31  }
0x6: {  	s14 =	simm.s32 $0x0;
	s1 =	rddreg [dreg:$0x2];
	s5 =	sshrl.u32 s2, $0x3  }
0x7: {  	[smem:$0x7FF] =	sst s4;
	s9 =	ssub.s32 $0x2, s6;
	s8 =	smul.u32 $0x280, s5  }
0x8: {  	_ =	strace $0x80000047;
	s10 =	sshrl.u32 s9, $0x1;
	s5 =	sadd.s32 $0x96E00, s7  }
0x9: {  	s9 =	ssub.s32 s9, s10;
	s10 =	simm.s32 $0x7;
	s6 =	sadd.s32 s5, s8  }
0xa: {  	v0 =	vimm.s32 $0x0;
	s7 =	sadd.s32 $0x136E00, s7;
	s9 =	smax.u32 s9, $0x1;
	s8 =	sadd.s32 $0xA00, s6  }
.LBB2_1:
0xb: {  	[tilespmem:s4], [sflag:$0x7] =	stream.linear.gather [hbm4b:s3+s4], $0x100, $0x38;
	[tilespmem:$0xF100] =	vst v63  }
0xc: {  	_ =	swait.ge [sflag:s10], $0x100  }
0xd: {  	[sflag:s10] =	ssyncset.done $0x0  }
0xe: {  	[sflag:s10] =	ssyncadd.s32 $0xFFFFFF00  }
0xf: {  	v1 =	vld [tilespmem:$0x0]  }
0x10: {  	v2 =	vld [tilespmem:$0x10]  }
0x11: {  	v3 =	vld [tilespmem:$0x20]  }
0x12: {  	v4 =	vld [tilespmem:$0x30]  }
0x13: {  	v5 =	vld [tilespmem:$0x40]  }
0x14: {  	(erf) = vrcp.f32 v1;
	v1 =	vld [tilespmem:$0x50]  }
0x15: {  	(erf) = vrcp.f32 v2;
	v2 =	vld [tilespmem:$0x60]  }
0x16: {  	(erf) = vrcp.f32 v3;
	v3 =	vld [tilespmem:$0x70]  }
0x17: {  	v58 =	vld [tilespmem:$0x80];
	(erf) = vrcp.f32 v4  }
0x18: {  	v59 =	vld [tilespmem:$0x90];
	(erf) = vrcp.f32 v5  }
0x19: {  	(erf) = vrcp.f32 v1;
	v1 =	vld [tilespmem:$0xA0]  }
0x1a: {  	(erf) = vrcp.f32 v2;
	v2 =	vld [tilespmem:$0xB0]  }
0x1b: {  	(erf) = vrcp.f32 v3;
	v3 =	vld [tilespmem:$0xC0]  }
0x1c: {  	v60 =	vld [tilespmem:$0xD0];
	(erf) = vrcp.f32 v58  }
0x1d: {  	v61 =	vld [tilespmem:$0xE0];
	v6 =	vpop (erf);
	(erf) = vrcp.f32 v59  }
0x1e: {  	[tilespmem:$0x0] =	vst v6;
	v62 =	vpop (erf);
	(erf) = vrcp.f32 v1;
	v1 =	vld [tilespmem:$0xF0]  }
0x1f: {  	[tilespmem:$0x10] =	vst v62;
	v63 =	vpop (erf);
	(erf) = vrcp.f32 v2  }
0x20: {  	[tilespmem:$0x20] =	vst v63;
	v2 =	vpop (erf);
	(erf) = vrcp.f32 v3  }
0x21: {  	[tilespmem:$0x30] =	vst v2;
	v2 =	vpop (erf);
	(erf) = vrcp.f32 v60  }
0x22: {  	[tilespmem:$0x40] =	vst v2;
	v2 =	vpop (erf);
	(erf) = vrcp.f32 v61  }
0x23: {  	[tilespmem:$0x50] =	vst v2;
	v2 =	vpop (erf);
	(erf) = vrcp.f32 v1  }
0x24: {  	v1 =	vpop (erf);
	[tilespmem:$0x60] =	vst v2  }
0x25: {  	v2 =	vpop (erf);
	[tilespmem:$0x70] =	vst v1  }
0x26: {  	v1 =	vpop (erf);
	[tilespmem:$0x80] =	vst v2  }
0x27: {  	v2 =	vpop (erf);
	[tilespmem:$0x90] =	vst v1  }
0x28: {  	v1 =	vpop (erf);
	[tilespmem:$0xA0] =	vst v2  }
0x29: {  	v2 =	vpop (erf);
	[tilespmem:$0xB0] =	vst v1  }
0x2a: {  	v1 =	vpop (erf);
	[tilespmem:$0xC0] =	vst v2  }
0x2b: {  	v2 =	vpop (erf);
	[tilespmem:$0xD0] =	vst v1  }
0x2c: {  	[tilespmem:$0xE0] =	vst v2;
	v1 =	vpop (erf)  }
0x2d: {  	[tilespmem:$0xF0] =	vst v1  }
0x2e: {  	[tilespmem:s11], [sflag:$0x1] =	stream.linear.gather [hbm4b:s6+s4], $0x5000, $0x38;
	[tilespmem:$0xF100] =	vst v63  }
0x2f: {  	s15 =	simm.s32 $0x0  }
0x30: {  	[tilespmem:s12], [sflag:$0x2] =	stream.linear.gather [hbm4b:s8+s4], $0x5000, $0x38;
	[tilespmem:$0xF100] =	vst v63  }
.LBB2_2:
0x31: {  	s16 =	smul.u32 $0xAB, s15;
	_ =	sdelay $0x1  }
0x32: {  	s16 =	sshrl.u32 s16, $0x9  }
0x33: {  	s16 =	sand.u32 $0x7F, s16  }
0x34: {  	s16 =	smul.u32 $0x3, s16;
	_ =	sdelay $0x1  }
0x35: {  	s16 =	ssub.s32 s15, s16  }
0x36: {  	s16 =	sand.u32 $0xFF, s16  }
0x37: {  	v2 =	vlaneseq.u32;
	v1 =	vmov s16  }
0x38: {  	v5 =	vimm.s32 $0x0;
	v3 =	vmul.u32 $0x3, v2;
	v1 =	vmul.u32 $0x5000, v1  }
0x39: {  	v4 =	vshrl.u32 v5, $0x3  }
0x3a: {  	v4 =	vmul.u32 $0x1400, v4;
	v6 =	vadd.s32 $0x1, v3;
	v1 =	vbroadcast v1, $0x0  }
0x3b: {  	v7 =	vshll.u32 v6, $0x3  }
0x3c: {  	v7 =	vand.u32 $0xFFFFFC00, v7;
	v4 =	vadd.s32 v1, v4  }
0x3d: {  	v8 =	vshll.u32 v5, $0x7;
	v6 =	vand.u32 $0x7F, v6;
	v7 =	vadd.s32 v4, v7  }
0x3e: {  	v8 =	vand.u32 $0x380, v8;
	v6 =	vor.u32 v6, v7  }
0x3f: {  	v6 =	vor.u32 v8, v6  }
0x40: {  	s17 =	sadd.s32 $0x1, s16  }
0x41: {  	_ =	swait.ge [sflag:s17], $0x5000  }
0x42: {  	[sflag:s17] =	ssyncset.done $0x0  }
0x43: {  	[sflag:s17] =	ssyncadd.s32 $0xFFFFB000  }
0x44: {  	v6 =	vld.idx.msk [tilespmem:v6+s11+$0x0], $0xffff  }
0x45: {  	v3 =	vadd.s32 $0x2, v3  }
0x46: {  	v7 =	vshll.u32 v3, $0x3  }
0x47: {  	v7 =	vand.u32 $0xFFFFFC00, v7  }
0x48: {  	v3 =	vand.u32 $0x7F, v3;
	v4 =	vadd.s32 v4, v7  }
0x49: {  	v3 =	vor.u32 v3, v4;
	v4 =	vtrunc.f32 v6  }
0x4a: {  	v6 =	vcvt.f32.s32 v4;
	v4 =	vor.u32 v8, v3;
	v3 =	vadd.s32 $0x10, v2  }
0x4b: {  	v2 =	vadd.s32 $0xFFFFFF48, v2;
	vm0 =	vgt.s32 v3, $0xC7  }
0x4c: {  	v7 =	vsel vm0, $0x1, v0;
	v3 =	vsel vm0, v2, v3  }
0x4d: {  	v8 =	vmul.u32 $0x3, v3;
	v2 =	vadd.s32 v7, v5  }
0x4e: {  	v5 =	vshrl.u32 v2, $0x3  }
0x4f: {  	v7 =	vadd.s32 $0x1, v8;
	v5 =	vmul.u32 $0x1400, v5;
	v8 =	vadd.s32 $0x2, v8  }
0x50: {  	v10 =	vld.idx.msk [tilespmem:v6+s4+$0x0], $0xffff;
	v6 =	vshll.u32 v2, $0x7;
	v11 =	vshll.u32 v7, $0x3;
	v12 =	vand.u32 $0x7F, v8  }
0x51: {  	v9 =	vld.idx.msk [tilespmem:v4+s11+$0x0], $0xffff;
	v8 =	vshll.u32 v8, $0x3;
	v5 =	vadd.s32 v1, v5;
	v11 =	vand.u32 $0xFFFFFC00, v11  }
0x52: {  	v7 =	vand.u32 $0x7F, v7;
	v8 =	vand.u32 $0xFFFFFC00, v8;
	v11 =	vadd.s32 v5, v11  }
0x53: {  	v8 =	vadd.s32 v5, v8;
	v5 =	vand.u32 $0x380, v6;
	v7 =	vor.u32 v7, v11  }
0x54: {  	v7 =	vor.u32 v5, v7;
	_ =	sdelay $0x1  }
0x55: {  	s17 =	simm.s32 $0x18E;
	v6 =	vor.u32 v12, v8;
	v8 =	vmul.f32 v9, v10  }
.LBB2_3:
0x56: {  	p0 =	sne.s32 s17, $0x1;
	s17 =	sadd.s32 $0xFFFFFFFF, s17  }
0x57: {  	[tilespmem:v4+s11+$0x0] =	vst.idx.msk $0xffff, v8  }
0x58: {  	v4 =	vld.idx.msk [tilespmem:v7+s11+$0x0], $0xffff;
	_ =	sdelay $0x5  }
0x59: {  	v7 =	vadd.s32 $0x10, v3;
	v3 =	vadd.s32 $0xFFFFFF48, v3;
	v4 =	vtrunc.f32 v4  }
0x5a: {  	vm0 =	vgt.s32 v7, $0xC7;
	v8 =	vcvt.f32.s32 v4;
	v4 =	vor.u32 v5, v6  }
0x5b: {  	v3 =	vsel vm0, v3, v7;
	v5 =	vsel vm0, $0x1, v0  }
0x5c: {  	v6 =	vmul.u32 $0x3, v3;
	v2 =	vadd.s32 v5, v2  }
0x5d: {  	v5 =	vshrl.u32 v2, $0x3;
	v7 =	vshll.u32 v2, $0x7  }
0x5e: {  	v9 =	vadd.s32 $0x1, v6;
	v6 =	vadd.s32 $0x2, v6;
	v5 =	vmul.u32 $0x1400, v5  }
0x5f: {  	v10 =	vshll.u32 v9, $0x3;
	v11 =	vand.u32 $0x7F, v6;
	v6 =	vshll.u32 v6, $0x3;
	v12 =	vld.idx.msk [tilespmem:v4+s11+$0x0], $0xffff  }
0x60: {  	v10 =	vand.u32 $0xFFFFFC00, v10;
	v6 =	vand.u32 $0xFFFFFC00, v6;
	v5 =	vadd.s32 v1, v5;
	v8 =	vld.idx.msk [tilespmem:v8+s4+$0x0], $0xffff  }
0x61: {  	v9 =	vand.u32 $0x7F, v9;
	v10 =	vadd.s32 v5, v10;
	v6 =	vadd.s32 v5, v6  }
.Ltmp0:
0x62: {  	v5 =	vand.u32 $0x380, v7;
	v7 =	vor.u32 v9, v10;
	v6 =	vor.u32 v11, v6;
	(pc) =	sbr.rel @p0 .LBB2_3-.Ltmp0, $2  }
0x63: {  	v7 =	vor.u32 v5, v7;
	_ =	sdelay $0x2  }
0x64: {  	v8 =	vmul.f32 v12, v8  }
0x65: {  	_ =	sdelay $0x3  }
0x66: {  	[tilespmem:v4+s11+$0x0] =	vst.idx.msk $0xffff, v8  }
0x67: {  	v1 =	vld.idx.msk [tilespmem:v7+s11+$0x0], $0xffff;
	_ =	sdelay $0x4  }
0x68: {  	v1 =	vtrunc.f32 v1  }
0x69: {  	v2 =	vor.u32 v5, v6;
	v1 =	vcvt.f32.s32 v1;
	_ =	sdelay $0x4  }
0x6a: {  	v3 =	vld.idx.msk [tilespmem:v2+s11+$0x0], $0xffff  }
0x6b: {  	s17 =	sshll.u32 s15, $0x5;
	v1 =	vld.idx.msk [tilespmem:v1+s4+$0x0], $0xffff  }
0x6c: {  	s18 =	sadd.s32 s2, s17;
	s17 =	sadd.s32 $0x2, s15  }
0x6d: {  	s20 =	smulhi.u32 $0xAAAAAAAB, s17  }
0x6e: {  	s19 =	smul.u32 $0x14000, s16;
	s18 =	sshrl.u32 s18, $0x3  }
0x6f: {  	s18 =	smul.u32 $0x280, s18;
	s20 =	sshrl.u32 s20, $0x1  }
0x70: {  	p0 =	seq.s32 s15, $0x0;
	s20 =	smul.u32 $0x3, s20;
	v1 =	vmul.f32 v3, v1  }
0x71: {  	s31 =	sadd.s32 $0x4, s16;
	p1 =	sgt.u32 @!p0 s15, $0x5;
	s19 =	sshrl.u32 s19, $0x2  }
0x72: {  	s19 =	sor.u32 $0x100, s19;
	s18 =	sadd.s32 s7, s18;
	s16 =	ssub.s32 s17, s20;
	[tilespmem:v2+s11+$0x0] =	vst.idx.msk $0xffff, v1  }
0x73: {  	[hbm4b:s18+s4] =	stream.linear.scatter [tilespmem:s19], [sflag:s31], $0x5000, $0x38;
	[tilespmem:$0xF100] =	vst v63  }
0x74: {  	p1 =	por p0, !p1;
	s18 =	sadd.s32 @!p0 $0x4, s16  }
0x75: {  	s17 =	sshll.u32 @p1 s17, $0x5;
	_ =	swait.ge @!p0 [sflag:s18], $0x5000  }
0x76: {  	s15 =	sadd.s32 $0x1, s15;
	s17 =	sadd.s32 @p1 s2, s17;
	[sflag:s18] =	ssyncset.done @!p0 $0x0  }
0x77: {  	[sflag:s18] =	ssyncadd.s32 @!p0 $0xFFFFB000;
	s18 =	smul.u32 @p1 $0x14000, s16;
	p0 =	sne.s32 s15, $0x8  }
.Ltmp1:
0x78: {  	s17 =	sshrl.u32 @p1 s17, $0x3;
	(pc) =	sbr.rel @p0 .LBB2_2-.Ltmp1, $4  }
0x79: {  	s17 =	smul.u32 @p1 $0x280, s17  }
0x7a: {  	s18 =	sshra.s32 @p1 s18, $0x2  }
0x7b: {  	s17 =	sadd.s32 @p1 s5, s17;
	s16 =	sadd.s32 @p1 $0x1, s16;
	s18 =	sor.u32 @p1 $0x100, s18  }
0x7c: {  	[tilespmem:s18], [sflag:s16] =	stream.linear.gather @p1 [hbm4b:s17+s4], $0x5000, $0x38;
	[tilespmem:$0xF100] =	vst v63  }
0x7d: {  	s14 =	sadd.s32 $0x1, s14  }
0x7e: {  	p0 =	sne.s32 s14, s9  }
.Ltmp2:
0x7f: {  	_ = 	snop;
	(pc) =	sbr.rel @p0 .LBB2_1-.Ltmp2, $4  }
0x80: {  	_ = 	snop  }
0x81: {  	_ =	swait.ge [sflag:s13], $0x5000  }
0x82: {  	[sflag:s13] =	ssyncset.done $0x0  }
0x83: {  	[sflag:s13] =	ssyncadd.s32 $0xFFFFB000  }
0x84: {  	_ =	sfence.sel $0x180000  }
0x85: {  	[bflag:$0x0] =	sbarrier.arrive $0xFFFF  }
0x86: {  	p0 =	sne.s32 s0, $0x0;
	_ =	strace $0x90000047  }
0x87: {  	s0 =	sadd.s32 @!p0 $0x100000, s1;
	[bflag:$0x2] =	sbarrier.arrive $0xFFFF  }
0x88: {  	[sflag:s0] =	ssyncadd.tile.s32 @!p0 $0x1;
	_ =	shalt  }
.Lfunc_end2:
_tile_overlayer_lowered:
.L_overlay_start_2:
0x89: {  	(tag) =	ssettag $0x2  }
0x8a: {  	s0 =	rddreg [dreg:$0x0];
	s2 =	stileid.u32  }
0x8b: {  	s1 =	rddreg [dreg:$0x1];
	p0 =	sne.s32 s2, $0x0  }
0x8c: {  	s3 =	rddreg [dreg:$0x2];
	[bflag:$0x3] =	sbarrier.arrive $0xFFFF;
	s2 =	simm.s32 @!p0 $0x1C07  }
0x8d: {  	[timem:s3], [sflag:s2] =	dma.local @!p0 [hbm:s0], s1  }
0x8e: {  	s0 =	simm.s32 @!p0 $0x7  }
0x8f: {  	_ =	swait.ge @!p0 [sflag:s0], s1  }
0x90: {  	s1 =	ssub.s32 @!p0 $0x0, s1;
	[sflag:s0] =	ssyncset.done @!p0 $0x0  }
0x91: {  	[sflag:s0] =	ssyncadd.s32 @!p0 s1  }
0x92: {  	[bflag:$0x3] =	sbarrier.arrive $0xFFFF  }
0x93: {  	_ =	shalt  }

// kernel: kernel.7.cloned.1.call-start
scs
__scs_entry_jumppad:
0x0: {  	(pc) =	sbr.rel $0x88, $3  }
0x1: {  	(tag) =	ssettag $0x0;
	lr =	simm.s32 $0x1  }
0x2: {  	[smem:$0x3F9F] =	sst lr;
	_ =	strace $0xD0000000  }
0x3: {  	_ = 	snop  }
0x4: {  	_ = 	snop  }
0x5: {  	_ = 	snop  }
0x6: {  	_ = 	snop  }
0x7: {  	_ = 	snop  }
__scs_overlays_trampoline_lowered:
0x8: {  	[smem:$0x3FAE] =	sst s0  }
0x9: {  	[smem:$0x3FAF] =	sst s1  }
0xa: {  	[smem:$0x3FB0] =	sst s2  }
0xb: {  	[smem:$0x3FB1] =	sst s3  }
0xc: {  	[smem:$0x3FB2] =	sst s4  }
0xd: {  	[smem:$0x3FB3] =	sst s5  }
0xe: {  	[smem:$0x3FB4] =	sst s6  }
0xf: {  	[smem:$0x3FB5] =	sst s7  }
0x10: {  	[smem:$0x3FB6] =	sst s8  }
0x11: {  	[smem:$0x3FB7] =	sst s9;
	s0 =	simm.s32 @!p0 $0x0  }
0x12: {  	s1 =	sld [smem:$0x3F9D];
	s0 =	simm.s32 @p0 $0x1  }
0x13: {  	[smem:$0x3FB8] =	sst s0;
	s0 =	simm.s32 @!p1 $0x0  }
0x14: {  	s2 =	sld [smem:$0x3F9C];
	s0 =	simm.s32 @p1 $0x1  }
0x15: {  	[smem:$0x3FB9] =	sst s0;
	s0 =	simm.s32 @!p2 $0x0  }
0x16: {  	s3 =	sld [smem:$0x3FDB];
	s0 =	simm.s32 @p2 $0x1  }
0x17: {  	s4 =	simm.s32 $0x1BF5;
	[smem:$0x3FBB] =	sst s0  }
0x18: {  	s0 =	sld [smem:$0x3F9E];
	_ =	swait.ge [sflag:s4], $0x0  }
0x19: {  	s7 =	sld [smem:$0x3F9F]  }
0x1a: {  	s8 =	sadd.s32 $0xFFFFE003, lr  }
0x1b: {  	s9 =	sadd.s32 $0xFFFFFEF7, lr;
	s5 =	simm.s32 $0xFFFFFFFF;
	p2 =	slt.u32 s8, $0xFFFFF086  }
0x1c: {  	p1 =	slt.u32 s9, $0xF7A;
	s5 =	simm.s32 @!p2 $0x0  }
0x1d: {  	s5 =	simm.s32 @p1 $0x1;
	p0 =	seq.s32 s7, s2  }
0x1e: {  	s7 =	smul.u32 @!p0 $0xF7A, s2;
	p2 =	seq.s32 @!p0 s5, $0x0  }
0x1f: {  	s9 =	smul.u32 $0xF7A, s1;
	s8 =	simm.s32 @!p0 $0x1BF5;
	p2 =	por !p2, p0  }
0x20: {  	[sflag:s8] =	ssyncset.s32 @!p0 $0xFFFFF086;
	s6 =	sadd.s32 @!p0 s3, s7;
	s7 =	simm.s32 @!p0 $0x108  }
0x21: {  	s3 =	sadd.s32 s3, s9;
	s6 =	sadd.s32 @!p0 $0x88, s6;
	s7 =	simm.s32 @p2 $0x1082  }
0x22: {  	[simem:s7], [sflag:s8] =	dma.local @!p0 [hbm:s6], $0xF7A  }
0x23: {  	s9 =	sor.u32 $0xD0000000, s2;
	s6 =	simm.s32 $0x108;
	_ =	swait.ge @!p0 [sflag:s8], $0x0  }
0x24: {  	s3 =	sadd.s32 $0x88, s3;
	s6 =	simm.s32 @!p1 $0x1082;
	[sflag:s4] =	ssyncset.s32 $0xFFFFF086  }
0x25: {  	[simem:s6], [sflag:s4] =	dma.local [hbm:s3], $0xF7A  }
0x26: {  	[smem:$0x3F9F] =	sst s1;
	(tag) =	ssettag s2;
	_ =	strace s9  }
0x27: {  	s1 =	sld [smem:$0x3FAF]  }
0x28: {  	s2 =	sld [smem:$0x3FB0]  }
0x29: {  	s4 =	sld [smem:$0x3FB2]  }
0x2a: {  	p0 =	seq.s32 s5, $0x0;
	s5 =	sld [smem:$0x3FB3]  }
0x2b: {  	s6 =	sld [smem:$0x3FB4]  }
0x2c: {  	s7 =	sld [smem:$0x3FB5]  }
0x2d: {  	s3 =	simm.s32 $0x108;
	s8 =	sld [smem:$0x3FB6]  }
0x2e: {  	s3 =	simm.s32 @!p0 $0x1082;
	s9 =	sld [smem:$0x3FB7]  }
0x2f: {  	lr =	sadd.s32 s0, s3;
	s0 =	sld [smem:$0x3FAE]  }
0x30: {  	s3 =	sld [smem:$0x3FB1]  }
0x31: {  	[smem:$0x3FBA] =	sst s10  }
0x32: {  	s10 =	sld [smem:$0x3FB8];
	_ =	sdelay $0x3  }
0x33: {  	p0 =	seq.s32 s10, $0x1;
	s10 =	sld [smem:$0x3FBA];
	_ =	sdelay $0x3  }
0x34: {  	[smem:$0x3FBA] =	sst s10  }
0x35: {  	s10 =	sld [smem:$0x3FB9];
	_ =	sdelay $0x3  }
0x36: {  	p1 =	seq.s32 s10, $0x1;
	s10 =	sld [smem:$0x3FBA];
	_ =	sdelay $0x3  }
0x37: {  	[smem:$0x3FBA] =	sst s10  }
0x38: {  	s10 =	sld [smem:$0x3FBB]  }
0x39: {  	_ = 	snop;
	(pc) =	sbr.ind lr, $3  }
0x3a: {  	_ = 	snop  }
0x3b: {  	_ = 	snop  }
0x3c: {  	p2 =	seq.s32 s10, $0x1;
	s10 =	sld [smem:$0x3FBA]  }
0x3d: {  	_ =	shalt  }
0x3e: {  	_ =	shalt  }
0x3f: {  	_ =	shalt  }
0x40: {  	_ =	shalt  }
0x41: {  	_ =	shalt  }
0x42: {  	_ =	shalt  }
0x43: {  	_ =	shalt  }
0x44: {  	_ =	shalt  }
0x45: {  	_ =	shalt  }
0x46: {  	_ =	shalt  }
0x47: {  	_ =	shalt  }
0x48: {  	_ =	shalt  }
0x49: {  	_ =	shalt  }
0x4a: {  	_ =	shalt  }
0x4b: {  	_ =	shalt  }
0x4c: {  	_ =	shalt  }
0x4d: {  	_ =	shalt  }
0x4e: {  	_ =	shalt  }
0x4f: {  	_ =	shalt  }
0x50: {  	_ =	shalt  }
0x51: {  	_ =	shalt  }
0x52: {  	_ =	shalt  }
0x53: {  	_ =	shalt  }
0x54: {  	_ =	shalt  }
0x55: {  	_ =	shalt  }
0x56: {  	_ =	shalt  }
0x57: {  	_ =	shalt  }
0x58: {  	_ =	shalt  }
0x59: {  	_ =	shalt  }
0x5a: {  	_ =	shalt  }
0x5b: {  	_ =	shalt  }
0x5c: {  	_ =	shalt  }
0x5d: {  	_ =	shalt  }
0x5e: {  	_ =	shalt  }
0x5f: {  	_ =	shalt  }
0x60: {  	_ =	shalt  }
0x61: {  	_ =	shalt  }
0x62: {  	_ =	shalt  }
0x63: {  	_ =	shalt  }
0x64: {  	_ =	shalt  }
0x65: {  	_ =	shalt  }
0x66: {  	_ =	shalt  }
0x67: {  	_ =	shalt  }
0x68: {  	_ =	shalt  }
0x69: {  	_ =	shalt  }
0x6a: {  	_ =	shalt  }
0x6b: {  	_ =	shalt  }
0x6c: {  	_ =	shalt  }
0x6d: {  	_ =	shalt  }
0x6e: {  	_ =	shalt  }
0x6f: {  	_ =	shalt  }
0x70: {  	_ =	shalt  }
0x71: {  	_ =	shalt  }
0x72: {  	_ =	shalt  }
0x73: {  	_ =	shalt  }
0x74: {  	_ =	shalt  }
0x75: {  	_ =	shalt  }
0x76: {  	_ =	shalt  }
0x77: {  	_ =	shalt  }
0x78: {  	_ =	shalt  }
0x79: {  	_ =	shalt  }
0x7a: {  	_ =	shalt  }
0x7b: {  	_ =	shalt  }
0x7c: {  	_ =	shalt  }
0x7d: {  	_ =	shalt  }
0x7e: {  	_ =	shalt  }
0x7f: {  	_ =	shalt  }
0x80: {  	_ =	shalt  }
0x81: {  	_ =	shalt  }
0x82: {  	_ =	shalt  }
0x83: {  	_ =	shalt  }
0x84: {  	_ =	shalt  }
0x85: {  	_ =	shalt  }
0x86: {  	_ =	shalt  }
0x87: {  	_ =	shalt  }
.Lfunc_end0:
.L_simem_size_0:
called_computation.2_lowered:
.L_overlay_start_0:
0x88: {  	s2 =	sld [smem:$0x3FD9]  }
0x89: {  	s3 =	sld [smem:$0x3FFE];
	_ =	sdelay $0x1  }
0x8a: {  	s1 =	srdreg.scid  }
0x8b: {  	s0 =	sand.u32 $0x1, s1  }
0x8c: {  	s17 =	sshll.u32 s0, $0xA;
	s2 =	sadd.s32 s3, s2  }
0x8d: {  	s2 =	sadd.s32 s2, s17  }
0x8e: {  	[smem:$0x3FC6] =	sst s2  }
0x8f: {  	_ = 	snop  }
0x90: {  	s18 =	sld [smem:$0x3FC8]  }
0x91: {  	s4 =	sld [smem:$0x3FD0];
	(tm) =	ssettm $0x1  }
0x92: {  	s19 =	sld [smem:$0x3FFB];
	_ =	sdelay $0x3  }
0x93: {  	_ =	strace s19  }
0x94: {  	s2 =	sld [smem:$0x3FFC];
	_ =	sdelay $0x3  }
0x95: {  	_ =	strace s2  }
0x96: {  	s2 =	sld [smem:$0x3FFD];
	_ =	sdelay $0x3  }
0x97: {  	_ =	strace s2  }
0x98: {  	_ =	strace $0x8FFFFFFF  }
0x99: {  	s20 =	sld [smem:$0x3FDB];
	_ =	sdelay $0x1  }
0x9a: {  	s5 =	simm.s32 $_scs_section_size  }
0x9b: {  	s6 =	simm.s32 $_size__tile_overlayer_lowered;
	s7 =	simm.s32 $_tile_overlayer_lowered  }
0x9c: {  	s8 =	simm.s32 $0x1BFF;
	s21 =	sshll.u32 s7, $0x1;
	s5 =	sadd.s32 s5, s20  }
0x9d: {  	s22 =	simm.s32 $0x0;
	s6 =	sshll.u32 s6, $0x1;
	s7 =	sadd.s32 s21, s5  }
0x9e: {  	[timem:s22], [sflag:s8] =	dma.local [hbm:s7], s6  }
0x9f: {  	_ =	swait.ge [sflag:s8], s6  }
0xa0: {  	s6 =	ssub.s32 $0x0, s6;
	[sflag:s8] =	ssyncset.done $0x0  }
0xa1: {  	[sflag:s8] =	ssyncadd.s32 s6;
	_ =	sdelay $0x1  }
0xa2: {  	s23 =	simm.s32 $0x1B8B  }
0xa3: {  	_ =	swait.ge [sflag:s23], $0x1  }
0xa4: {  	[sflag:s23] =	ssyncset.done $0x0  }
0xa5: {  	[sflag:s23] =	ssyncadd.s32 $0xFFFFFFFF  }
0xa6: {  	s6 =	sld [smem:$0x0]  }
0xa7: {  	s7 =	sand.u32 $0xFFFFFFFE, s1  }
0xa8: {  	p0 =	sne.s32 s1, s7  }
0xa9: {  	s7 =	sshll.u32 @p0 s7, $0xE  }
0xaa: {  	s7 =	sadd.s32 @p0 $0x11B8D, s7;
	s8 =	sshll.u32 @p0 s6, $0x11  }
0xab: {  	s7 =	sor.u32 @p0 s8, s7  }
0xac: {  	[sflag:s7] =	ssyncadd.remote.s32 @p0 $0x1;
	_ =	sdelay $0x1  }
0xad: {  	s7 =	simm.s32 @p0 $0x1B8D  }
0xae: {  	_ =	swait.eq @p0 [sflag:s7], $0x1  }
0xaf: {  	[sflag:s7] =	ssyncadd.s32 @p0 $0xFFFFFFFF  }
0xb0: {  	s8 =	sshll.u32 @!p0 s1, $0xE  }
0xb1: {  	s8 =	sor.u32 @!p0 $0x4000, s8;
	s7 =	simm.s32 @!p0 $0x1B8D  }
0xb2: {  	s6 =	sshll.u32 @!p0 s6, $0x11;
	s8 =	sadd.s32 @!p0 $0x11B8D, s8;
	_ =	swait.eq @!p0 [sflag:s7], $0x1  }
0xb3: {  	s6 =	sor.u32 @!p0 s6, s8;
	[sflag:s7] =	ssyncadd.s32 @!p0 $0xFFFFFFFF  }
0xb4: {  	s25 =	simm.s32 $0x1B8E;
	s24 =	sld [smem:$0x3FFE];
	[sflag:s6] =	ssyncadd.remote.s32 @!p0 $0x1  }
0xb5: {  	s26 =	simm.s32 $execute0_lowered;
	[smem:$0x3FD2] =	sst s25  }
0xb6: {  	s7 =	sshll.u32 s26, $0x1;
	_ =	strace $0x80000049;
	[dreg:$0x1] =	wrdreg $0xFFFFFFFF  }
0xb7: {  	s28 =	simm.s32 $_size_execute0_lowered;
	s5 =	sadd.s32 s5, s7;
	[dreg:$0x0] =	wrdreg $0x0  }
0xb8: {  	s7 =	sshll.u32 s28, $0x1;
	[dreg:$0x2] =	wrdreg s5  }
0xb9: {  	[dreg:$0x3] =	wrdreg s7  }
0xba: {  	[dreg:$0x4] =	wrdreg $0xC0  }
0xbb: {  	_ =	task [dreg:s22], $0x5FFFF  }
0xbc: {  	[dreg:$0x1] =	wrdreg $0xFFFFFFFF  }
0xbd: {  	[dreg:$0x0] =	wrdreg $0x60  }
0xbe: {  	[dreg:$0x2] =	wrdreg s4  }
0xbf: {  	[dreg:$0x3] =	wrdreg s18  }
0xc0: {  	[dreg:$0x4] =	wrdreg s24  }
0xc1: {  	[dreg:$0x5] =	wrdreg $0xA  }
0xc2: {  	_ =	task.clear_ibuf [dreg:s22], $0x6FFFF;
	_ =	strace $0x90000049  }
0xc3: {  	s29 =	simm.s32 $0xA;
	_ =	strace $0x8000004B  }
0xc4: {  	_ =	swait.ge [sflag:s29], $0x1  }
0xc5: {  	[sflag:s29] =	ssyncadd.s32 $0xFFFFFFFF  }
0xc6: {  	_ =	strace $0x9000004B  }
0xc7: {  	_ =	sfence  }
0xc8: {  	s30 =	sld [smem:$0x0];
	_ =	sdelay $0x2  }
0xc9: {  	s31 =	sshll.u32 s1, $0xD;
	s1 =	sshrl.u32 s1, $0x2  }
0xca: {  	s4 =	sand.u32 $0x4000, s31;
	s1 =	sadd.s32 s1, s30  }
0xcb: {  	s0 =	sor.u32 s4, s0;
	s1 =	sshll.u32 s1, $0x11  }
0xcc: {  	s0 =	sor.u32 s1, s0  }
0xcd: {  	s0 =	sadd.s32 $0x8F2B, s0  }
0xce: {  	[sflag:s0] =	ssyncadd.remote.s32 $0x1  }
0xcf: {  	_ =	sfence.sel $0xFFFF  }
0xd0: {  	[dreg:$0x0] =	wrdreg $0xFFFFFFFF;
	(pc) =	sbr.abs _section_cstart, $3  }
0xd1: {  	[dreg:$0x1] =	wrdreg $0xFFFFFFFF  }
0xd2: {  	_ =	task.clear_ibuf [dreg:s22], $0x2FFFF;
	_ =	strace $0x9FFFFFFF  }
0xd3: {  	(tm) =	ssettm $0x7FFFFFFF  }
tec
execute0_lowered:
.L_overlay_start_1:
0x0: {  	(tag) =	ssettag $0x1  }
0x1: {  	s1 =	srdreg.scid  }
0x2: {  	s0 =	stileid.u32;
	s3 =	rddreg [dreg:$0x1]  }
0x3: {  	s7 =	rddreg [dreg:$0x2];
	s5 =	simm.s32 $0x0;
	s6 =	sand.u32 $0x1, s1  }
0x4: {  	s11 =	simm.s32 $0x100;
	s2 =	sshll.u32 s0, $0x9;
	s4 =	sshll.u32 s6, $0x8  }
0x5: {  	s12 =	simm.s32 $0x5100;
	s13 =	simm.s32 $0x5;
	s4 =	sor.u32 s4, s2  }
0x6: {  	s14 =	simm.s32 $0x0;
	s1 =	rddreg [dreg:$0x0];
	s8 =	sshrl.u32 s4, $0x3  }
0x7: {  	[smem:$0x7FF] =	sst s5;
	s9 =	ssub.s32 $0x2, s6;
	s8 =	smul.u32 $0x280, s8  }
0x8: {  	s7 =	sadd.s32 $0x1D6E00, s7;
	s2 =	rddreg [dreg:$0x3];
	s10 =	sshrl.u32 s9, $0x1  }
0x9: {  	_ =	strace $0x8000004A;
	s9 =	ssub.s32 s9, s10;
	s6 =	sadd.s32 s1, s8  }
0xa: {  	v0 =	vimm.s32 $0x0;
	s10 =	simm.s32 $0x7;
	s9 =	smax.u32 s9, $0x1;
	s8 =	sadd.s32 $0xA00, s6  }
.LBB2_1:
0xb: {  	[tilespmem:s5], [sflag:$0x7] =	stream.linear.gather [hbm4b:s3+s5], $0x100, $0x38;
	[tilespmem:$0xF100] =	vst v63  }
0xc: {  	_ =	swait.ge [sflag:s10], $0x100  }
0xd: {  	[sflag:s10] =	ssyncset.done $0x0  }
0xe: {  	[sflag:s10] =	ssyncadd.s32 $0xFFFFFF00  }
0xf: {  	v1 =	vld [tilespmem:$0x0]  }
0x10: {  	v2 =	vld [tilespmem:$0x10]  }
0x11: {  	v3 =	vld [tilespmem:$0x20]  }
0x12: {  	v4 =	vld [tilespmem:$0x30]  }
0x13: {  	v5 =	vld [tilespmem:$0x40]  }
0x14: {  	(erf) = vrcp.f32 v1;
	v1 =	vld [tilespmem:$0x50]  }
0x15: {  	(erf) = vrcp.f32 v2;
	v2 =	vld [tilespmem:$0x60]  }
0x16: {  	(erf) = vrcp.f32 v3;
	v3 =	vld [tilespmem:$0x70]  }
0x17: {  	v58 =	vld [tilespmem:$0x80];
	(erf) = vrcp.f32 v4  }
0x18: {  	v59 =	vld [tilespmem:$0x90];
	(erf) = vrcp.f32 v5  }
0x19: {  	(erf) = vrcp.f32 v1;
	v1 =	vld [tilespmem:$0xA0]  }
0x1a: {  	(erf) = vrcp.f32 v2;
	v2 =	vld [tilespmem:$0xB0]  }
0x1b: {  	(erf) = vrcp.f32 v3;
	v3 =	vld [tilespmem:$0xC0]  }
0x1c: {  	v60 =	vld [tilespmem:$0xD0];
	(erf) = vrcp.f32 v58  }
0x1d: {  	v61 =	vld [tilespmem:$0xE0];
	v6 =	vpop (erf);
	(erf) = vrcp.f32 v59  }
0x1e: {  	[tilespmem:$0x0] =	vst v6;
	v62 =	vpop (erf);
	(erf) = vrcp.f32 v1;
	v1 =	vld [tilespmem:$0xF0]  }
0x1f: {  	[tilespmem:$0x10] =	vst v62;
	v63 =	vpop (erf);
	(erf) = vrcp.f32 v2  }
0x20: {  	[tilespmem:$0x20] =	vst v63;
	v2 =	vpop (erf);
	(erf) = vrcp.f32 v3  }
0x21: {  	[tilespmem:$0x30] =	vst v2;
	v2 =	vpop (erf);
	(erf) = vrcp.f32 v60  }
0x22: {  	[tilespmem:$0x40] =	vst v2;
	v2 =	vpop (erf);
	(erf) = vrcp.f32 v61  }
0x23: {  	[tilespmem:$0x50] =	vst v2;
	v2 =	vpop (erf);
	(erf) = vrcp.f32 v1  }
0x24: {  	v1 =	vpop (erf);
	[tilespmem:$0x60] =	vst v2  }
0x25: {  	v2 =	vpop (erf);
	[tilespmem:$0x70] =	vst v1  }
0x26: {  	v1 =	vpop (erf);
	[tilespmem:$0x80] =	vst v2  }
0x27: {  	v2 =	vpop (erf);
	[tilespmem:$0x90] =	vst v1  }
0x28: {  	v1 =	vpop (erf);
	[tilespmem:$0xA0] =	vst v2  }
0x29: {  	v2 =	vpop (erf);
	[tilespmem:$0xB0] =	vst v1  }
0x2a: {  	v1 =	vpop (erf);
	[tilespmem:$0xC0] =	vst v2  }
0x2b: {  	v2 =	vpop (erf);
	[tilespmem:$0xD0] =	vst v1  }
0x2c: {  	[tilespmem:$0xE0] =	vst v2;
	v1 =	vpop (erf)  }
0x2d: {  	[tilespmem:$0xF0] =	vst v1  }
0x2e: {  	[tilespmem:s11], [sflag:$0x1] =	stream.linear.gather [hbm4b:s6+s5], $0x5000, $0x38;
	[tilespmem:$0xF100] =	vst v63  }
0x2f: {  	s15 =	simm.s32 $0x0  }
0x30: {  	[tilespmem:s12], [sflag:$0x2] =	stream.linear.gather [hbm4b:s8+s5], $0x5000, $0x38;
	[tilespmem:$0xF100] =	vst v63  }
.LBB2_2:
0x31: {  	s16 =	smul.u32 $0xAB, s15;
	_ =	sdelay $0x1  }
0x32: {  	s16 =	sshrl.u32 s16, $0x9  }
0x33: {  	s16 =	sand.u32 $0x7F, s16  }
0x34: {  	s16 =	smul.u32 $0x3, s16;
	_ =	sdelay $0x1  }
0x35: {  	s16 =	ssub.s32 s15, s16  }
0x36: {  	s16 =	sand.u32 $0xFF, s16  }
0x37: {  	v2 =	vlaneseq.u32;
	v1 =	vmov s16  }
0x38: {  	v5 =	vimm.s32 $0x0;
	v3 =	vmul.u32 $0x3, v2;
	v1 =	vmul.u32 $0x5000, v1  }
0x39: {  	v4 =	vshrl.u32 v5, $0x3  }
0x3a: {  	v4 =	vmul.u32 $0x1400, v4;
	v6 =	vadd.s32 $0x1, v3;
	v1 =	vbroadcast v1, $0x0  }
0x3b: {  	v7 =	vshll.u32 v6, $0x3  }
0x3c: {  	v7 =	vand.u32 $0xFFFFFC00, v7;
	v4 =	vadd.s32 v1, v4  }
0x3d: {  	v8 =	vshll.u32 v5, $0x7;
	v6 =	vand.u32 $0x7F, v6;
	v7 =	vadd.s32 v4, v7  }
0x3e: {  	v8 =	vand.u32 $0x380, v8;
	v6 =	vor.u32 v6, v7  }
0x3f: {  	v6 =	vor.u32 v8, v6  }
0x40: {  	s17 =	sadd.s32 $0x1, s16  }
0x41: {  	_ =	swait.ge [sflag:s17], $0x5000  }
0x42: {  	[sflag:s17] =	ssyncset.done $0x0  }
0x43: {  	[sflag:s17] =	ssyncadd.s32 $0xFFFFB000  }
0x44: {  	v6 =	vld.idx.msk [tilespmem:v6+s11+$0x0], $0xffff  }
0x45: {  	v3 =	vadd.s32 $0x2, v3  }
0x46: {  	v7 =	vshll.u32 v3, $0x3  }
0x47: {  	v7 =	vand.u32 $0xFFFFFC00, v7  }
0x48: {  	v3 =	vand.u32 $0x7F, v3;
	v4 =	vadd.s32 v4, v7  }
0x49: {  	v3 =	vor.u32 v3, v4;
	v4 =	vtrunc.f32 v6  }
0x4a: {  	v6 =	vcvt.f32.s32 v4;
	v4 =	vor.u32 v8, v3;
	v3 =	vadd.s32 $0x10, v2  }
0x4b: {  	v2 =	vadd.s32 $0xFFFFFF48, v2;
	vm0 =	vgt.s32 v3, $0xC7  }
0x4c: {  	v7 =	vsel vm0, $0x1, v0;
	v3 =	vsel vm0, v2, v3  }
0x4d: {  	v8 =	vmul.u32 $0x3, v3;
	v2 =	vadd.s32 v7, v5  }
0x4e: {  	v5 =	vshrl.u32 v2, $0x3  }
0x4f: {  	v7 =	vadd.s32 $0x1, v8;
	v5 =	vmul.u32 $0x1400, v5;
	v8 =	vadd.s32 $0x2, v8  }
0x50: {  	v10 =	vld.idx.msk [tilespmem:v6+s5+$0x0], $0xffff;
	v6 =	vshll.u32 v2, $0x7;
	v11 =	vshll.u32 v7, $0x3;
	v12 =	vand.u32 $0x7F, v8  }
0x51: {  	v9 =	vld.idx.msk [tilespmem:v4+s11+$0x0], $0xffff;
	v8 =	vshll.u32 v8, $0x3;
	v5 =	vadd.s32 v1, v5;
	v11 =	vand.u32 $0xFFFFFC00, v11  }
0x52: {  	v7 =	vand.u32 $0x7F, v7;
	v8 =	vand.u32 $0xFFFFFC00, v8;
	v11 =	vadd.s32 v5, v11  }
0x53: {  	v8 =	vadd.s32 v5, v8;
	v5 =	vand.u32 $0x380, v6;
	v7 =	vor.u32 v7, v11  }
0x54: {  	v7 =	vor.u32 v5, v7;
	_ =	sdelay $0x1  }
0x55: {  	s17 =	simm.s32 $0x18E;
	v6 =	vor.u32 v12, v8;
	v8 =	vmul.f32 v9, v10  }
.LBB2_3:
0x56: {  	p0 =	sne.s32 s17, $0x1;
	s17 =	sadd.s32 $0xFFFFFFFF, s17  }
0x57: {  	[tilespmem:v4+s11+$0x0] =	vst.idx.msk $0xffff, v8  }
0x58: {  	v4 =	vld.idx.msk [tilespmem:v7+s11+$0x0], $0xffff;
	_ =	sdelay $0x5  }
0x59: {  	v7 =	vadd.s32 $0x10, v3;
	v3 =	vadd.s32 $0xFFFFFF48, v3;
	v4 =	vtrunc.f32 v4  }
0x5a: {  	vm0 =	vgt.s32 v7, $0xC7;
	v8 =	vcvt.f32.s32 v4;
	v4 =	vor.u32 v5, v6  }
0x5b: {  	v3 =	vsel vm0, v3, v7;
	v5 =	vsel vm0, $0x1, v0  }
0x5c: {  	v6 =	vmul.u32 $0x3, v3;
	v2 =	vadd.s32 v5, v2  }
0x5d: {  	v5 =	vshrl.u32 v2, $0x3;
	v7 =	vshll.u32 v2, $0x7  }
0x5e: {  	v9 =	vadd.s32 $0x1, v6;
	v6 =	vadd.s32 $0x2, v6;
	v5 =	vmul.u32 $0x1400, v5  }
0x5f: {  	v10 =	vshll.u32 v9, $0x3;
	v11 =	vand.u32 $0x7F, v6;
	v6 =	vshll.u32 v6, $0x3;
	v12 =	vld.idx.msk [tilespmem:v4+s11+$0x0], $0xffff  }
0x60: {  	v10 =	vand.u32 $0xFFFFFC00, v10;
	v6 =	vand.u32 $0xFFFFFC00, v6;
	v5 =	vadd.s32 v1, v5;
	v8 =	vld.idx.msk [tilespmem:v8+s5+$0x0], $0xffff  }
0x61: {  	v9 =	vand.u32 $0x7F, v9;
	v10 =	vadd.s32 v5, v10;
	v6 =	vadd.s32 v5, v6  }
.Ltmp0:
0x62: {  	v5 =	vand.u32 $0x380, v7;
	v7 =	vor.u32 v9, v10;
	v6 =	vor.u32 v11, v6;
	(pc) =	sbr.rel @p0 .LBB2_3-.Ltmp0, $2  }
0x63: {  	v7 =	vor.u32 v5, v7;
	_ =	sdelay $0x2  }
0x64: {  	v8 =	vmul.f32 v12, v8  }
0x65: {  	_ =	sdelay $0x3  }
0x66: {  	[tilespmem:v4+s11+$0x0] =	vst.idx.msk $0xffff, v8  }
0x67: {  	v1 =	vld.idx.msk [tilespmem:v7+s11+$0x0], $0xffff;
	_ =	sdelay $0x4  }
0x68: {  	v1 =	vtrunc.f32 v1  }
0x69: {  	v2 =	vor.u32 v5, v6;
	v1 =	vcvt.f32.s32 v1;
	_ =	sdelay $0x4  }
0x6a: {  	v3 =	vld.idx.msk [tilespmem:v2+s11+$0x0], $0xffff  }
0x6b: {  	s17 =	sshll.u32 s15, $0x5;
	v1 =	vld.idx.msk [tilespmem:v1+s5+$0x0], $0xffff  }
0x6c: {  	s18 =	sadd.s32 s4, s17;
	s17 =	sadd.s32 $0x2, s15  }
0x6d: {  	s20 =	smulhi.u32 $0xAAAAAAAB, s17  }
0x6e: {  	s19 =	smul.u32 $0x14000, s16;
	s18 =	sshrl.u32 s18, $0x3  }
0x6f: {  	s18 =	smul.u32 $0x280, s18;
	s20 =	sshrl.u32 s20, $0x1  }
0x70: {  	p0 =	seq.s32 s15, $0x0;
	s20 =	smul.u32 $0x3, s20;
	v1 =	vmul.f32 v3, v1  }
0x71: {  	s31 =	sadd.s32 $0x4, s16;
	p1 =	sgt.u32 @!p0 s15, $0x5;
	s19 =	sshrl.u32 s19, $0x2  }
0x72: {  	s19 =	sor.u32 $0x100, s19;
	s18 =	sadd.s32 s7, s18;
	s16 =	ssub.s32 s17, s20;
	[tilespmem:v2+s11+$0x0] =	vst.idx.msk $0xffff, v1  }
0x73: {  	[hbm4b:s18+s5] =	stream.linear.scatter [tilespmem:s19], [sflag:s31], $0x5000, $0x38;
	[tilespmem:$0xF100] =	vst v63  }
0x74: {  	p1 =	por p0, !p1;
	s18 =	sadd.s32 @!p0 $0x4, s16  }
0x75: {  	s17 =	sshll.u32 @p1 s17, $0x5;
	_ =	swait.ge @!p0 [sflag:s18], $0x5000  }
0x76: {  	s15 =	sadd.s32 $0x1, s15;
	s17 =	sadd.s32 @p1 s4, s17;
	[sflag:s18] =	ssyncset.done @!p0 $0x0  }
0x77: {  	[sflag:s18] =	ssyncadd.s32 @!p0 $0xFFFFB000;
	s18 =	smul.u32 @p1 $0x14000, s16;
	p0 =	sne.s32 s15, $0x8  }
.Ltmp1:
0x78: {  	s17 =	sshrl.u32 @p1 s17, $0x3;
	(pc) =	sbr.rel @p0 .LBB2_2-.Ltmp1, $4  }
0x79: {  	s17 =	smul.u32 @p1 $0x280, s17  }
0x7a: {  	s18 =	sshra.s32 @p1 s18, $0x2  }
0x7b: {  	s17 =	sadd.s32 @p1 s1, s17;
	s16 =	sadd.s32 @p1 $0x1, s16;
	s18 =	sor.u32 @p1 $0x100, s18  }
0x7c: {  	[tilespmem:s18], [sflag:s16] =	stream.linear.gather @p1 [hbm4b:s17+s5], $0x5000, $0x38;
	[tilespmem:$0xF100] =	vst v63  }
0x7d: {  	s14 =	sadd.s32 $0x1, s14  }
0x7e: {  	p0 =	sne.s32 s14, s9  }
.Ltmp2:
0x7f: {  	_ = 	snop;
	(pc) =	sbr.rel @p0 .LBB2_1-.Ltmp2, $4  }
0x80: {  	_ = 	snop  }
0x81: {  	_ =	swait.ge [sflag:s13], $0x5000  }
0x82: {  	[sflag:s13] =	ssyncset.done $0x0  }
0x83: {  	[sflag:s13] =	ssyncadd.s32 $0xFFFFB000  }
0x84: {  	_ =	sfence.sel $0x180000  }
0x85: {  	[bflag:$0x0] =	sbarrier.arrive $0xFFFF  }
0x86: {  	p0 =	sne.s32 s0, $0x0;
	_ =	strace $0x9000004A  }
0x87: {  	s0 =	sadd.s32 @!p0 $0x100000, s2;
	[bflag:$0x2] =	sbarrier.arrive $0xFFFF  }
0x88: {  	[sflag:s0] =	ssyncadd.tile.s32 @!p0 $0x1;
	_ =	shalt  }
.Lfunc_end2:
_tile_overlayer_lowered:
.L_overlay_start_2:
0x89: {  	(tag) =	ssettag $0x2  }
0x8a: {  	s0 =	rddreg [dreg:$0x0];
	s2 =	stileid.u32  }
0x8b: {  	s1 =	rddreg [dreg:$0x1];
	p0 =	sne.s32 s2, $0x0  }
0x8c: {  	s3 =	rddreg [dreg:$0x2];
	[bflag:$0x3] =	sbarrier.arrive $0xFFFF;
	s2 =	simm.s32 @!p0 $0x1C07  }
0x8d: {  	[timem:s3], [sflag:s2] =	dma.local @!p0 [hbm:s0], s1  }
0x8e: {  	s0 =	simm.s32 @!p0 $0x7  }
0x8f: {  	_ =	swait.ge @!p0 [sflag:s0], s1  }
0x90: {  	s1 =	ssub.s32 @!p0 $0x0, s1;
	[sflag:s0] =	ssyncset.done @!p0 $0x0  }
0x91: {  	[sflag:s0] =	ssyncadd.s32 @!p0 s1  }
0x92: {  	[bflag:$0x3] =	sbarrier.arrive $0xFFFF  }
0x93: {  	_ =	shalt  }

// kernel: sparse-core-data-format-call.cloned.1.call-start
scs
called_computation_lowered:
.L_overlay_start_0:
0x0: {  	s2 =	sld [smem:$0x3FD9]  }
0x1: {  	s3 =	sld [smem:$0x3FFE];
	_ =	sdelay $0x1  }
0x2: {  	s1 =	srdreg.scid  }
0x3: {  	s0 =	sand.u32 $0x1, s1  }
0x4: {  	s18 =	sshll.u32 s0, $0xA;
	s2 =	sadd.s32 s3, s2  }
0x5: {  	s2 =	sadd.s32 s2, s18  }
0x6: {  	[smem:$0x3FC6] =	sst s2  }
0x7: {  	_ = 	snop  }
0x8: {  	s2 =	sld [smem:$0x3FD0];
	(tm) =	ssettm $0x1  }
0x9: {  	s19 =	sld [smem:$0x3FFB];
	_ =	sdelay $0x3  }
0xa: {  	_ =	strace s19  }
0xb: {  	s3 =	sld [smem:$0x3FFC];
	_ =	sdelay $0x3  }
0xc: {  	_ =	strace s3  }
0xd: {  	s3 =	sld [smem:$0x3FFD];
	_ =	sdelay $0x3  }
0xe: {  	_ =	strace s3  }
0xf: {  	_ =	strace $0x8FFFFFFF  }
0x10: {  	s20 =	sld [smem:$0x3FDB];
	_ =	sdelay $0x1  }
0x11: {  	s4 =	simm.s32 $_scs_section_size  }
0x12: {  	s5 =	simm.s32 $_size__tile_overlayer_lowered;
	s6 =	simm.s32 $_tile_overlayer_lowered  }
0x13: {  	s23 =	simm.s32 $0x1BFF;
	s22 =	sshll.u32 s6, $0x1;
	s3 =	sadd.s32 s4, s20  }
0x14: {  	s7 =	simm.s32 $0x0;
	s21 =	sshll.u32 s5, $0x1;
	s5 =	sadd.s32 s22, s3  }
0x15: {  	[timem:s7], [sflag:s23] =	dma.local [hbm:s5], s21  }
0x16: {  	_ =	swait.ge [sflag:s23], s21  }
0x17: {  	s4 =	ssub.s32 $0x0, s21;
	[sflag:s23] =	ssyncset.done $0x0  }
0x18: {  	[sflag:s23] =	ssyncadd.s32 s4;
	_ =	sdelay $0x1  }
0x19: {  	s24 =	simm.s32 $0x1B8B  }
0x1a: {  	_ =	swait.ge [sflag:s24], $0x1  }
0x1b: {  	[sflag:s24] =	ssyncset.done $0x0  }
0x1c: {  	s26 =	simm.s32 $0x1B8E;
	s25 =	sld [smem:$0x3FFE];
	[sflag:s24] =	ssyncadd.s32 $0xFFFFFFFF  }
0x1d: {  	s27 =	simm.s32 $execute0_lowered;
	[smem:$0x3FD2] =	sst s26  }
0x1e: {  	s5 =	sshll.u32 s27, $0x1;
	_ =	strace $0x8000004C;
	[dreg:$0x1] =	wrdreg $0xFFFFFFFF  }
0x1f: {  	s28 =	simm.s32 $_size_execute0_lowered;
	s3 =	sadd.s32 s3, s5;
	[dreg:$0x0] =	wrdreg $0x0  }
0x20: {  	s5 =	sshll.u32 s28, $0x1;
	[dreg:$0x2] =	wrdreg s3  }
0x21: {  	[dreg:$0x3] =	wrdreg s5  }
0x22: {  	[dreg:$0x4] =	wrdreg $0xC0  }
0x23: {  	_ =	task [dreg:s7], $0x5FFFF  }
0x24: {  	[dreg:$0x1] =	wrdreg $0xFFFFFFFF  }
0x25: {  	[dreg:$0x0] =	wrdreg $0x60  }
0x26: {  	[dreg:$0x2] =	wrdreg s25  }
0x27: {  	[dreg:$0x3] =	wrdreg s2  }
0x28: {  	[dreg:$0x4] =	wrdreg $0x9  }
0x29: {  	_ =	task.clear_ibuf [dreg:s7], $0x5FFFF;
	_ =	strace $0x9000004C  }
0x2a: {  	s29 =	simm.s32 $0x9;
	_ =	strace $0x8000004E  }
0x2b: {  	_ =	swait.ge [sflag:s29], $0x1  }
0x2c: {  	[sflag:s29] =	ssyncadd.s32 $0xFFFFFFFF  }
0x2d: {  	_ =	strace $0x9000004E  }
0x2e: {  	_ =	sfence  }
0x2f: {  	s30 =	sld [smem:$0x0];
	_ =	sdelay $0x2  }
0x30: {  	s31 =	sshll.u32 s1, $0xD;
	s1 =	sshrl.u32 s1, $0x2  }
0x31: {  	s3 =	sand.u32 $0x4000, s31;
	s1 =	sadd.s32 s1, s30  }
0x32: {  	s0 =	sor.u32 s3, s0;
	s1 =	sshll.u32 s1, $0x11  }
0x33: {  	s0 =	sor.u32 s1, s0  }
0x34: {  	s0 =	sadd.s32 $0x8F2B, s0  }
0x35: {  	[sflag:s0] =	ssyncadd.remote.s32 $0x1  }
0x36: {  	_ =	sfence.sel $0xFFFF  }
0x37: {  	[dreg:$0x0] =	wrdreg $0xFFFFFFFF;
	(pc) =	sbr.abs _section_cstart, $3  }
0x38: {  	[dreg:$0x1] =	wrdreg $0xFFFFFFFF  }
0x39: {  	_ =	task.clear_ibuf [dreg:s7], $0x2FFFF;
	_ =	strace $0x9FFFFFFF  }
0x3a: {  	(tm) =	ssettm $0x7FFFFFFF  }
0x3b: {  	_ =	shalt  }
tec
execute0_lowered:
.L_overlay_start_1:
0x0: {  	(tag) =	ssettag $0x1  }
0x1: {  	s3 =	stileid.u32  }
0x2: {  	s0 =	srdreg.scid;
	s28 =	rddreg [dreg:$0x0];
	_ =	strace $0x8000004D  }
0x3: {  	s29 =	simm.s32 $0x1;
	s1 =	sshll.u32 s3, $0x6;
	s0 =	sshll.u32 s0, $0xA  }
0x4: {  	s31 =	simm.s32 $0x2;
	s17 =	simm.s32 $0x0;
	s0 =	sor.u32 s1, s0  }
0x5: {  	s19 =	simm.s32 $0x0;
	s18 =	simm.s32 $0x0;
	s6 =	sand.u32 $0x780, s0  }
0x6: {  	s10 =	simm.s32 $0x0;
	s11 =	simm.s32 $0x0;
	s0 =	ssub.s32 $0x4000, s6  }
0x7: {  	s13 =	simm.s32 $0x0;
	s7 =	sadd.s32 $0xE00, s28;
	s2 =	sand.u32 $0x780, s0  }
0x8: {  	s30 =	sshll.u32 s3, $0x7;
	p0 =	sne.s32 s2, $0x0;
	s2 =	simm.s32 $0x1  }
0x9: {  	s9 =	sand.u32 $0x80, s30;
	s0 =	sshrl.u32 s0, $0xB;
	s2 =	simm.s32 @!p0 $0x0  }
.Ltmp0:
0xa: {  	[dreg:$0x4] =	wrdreg s7;
	s0 =	sadd.s32 s2, s0;
	(pc) =	sbr.rel .LBB1_1-.Ltmp0, $4  }
0xb: {  	s14 =	simm.s32 $0x0;
	[dreg:$0x6] =	wrdreg s9;
	s8 =	smul.u32 $0x3, s0  }
0xc: {  	s16 =	simm.s32 $0x0;
	[sflag:s29] =	ssyncpa.u1 $0x0;
	[dreg:$0x3] =	wrdreg s6  }
0xd: {  	[sflag:s31] =	ssyncpa.u1 $0x0;
	s20 =	sadd.s32 $0x1, s8;
	[dreg:$0x5] =	wrdreg s8  }
0xe: {  	s15 =	smov.u32 s9;
	s12 =	smov.u32 s6;
	[dreg:$0x7] =	wrdreg s20  }
.LBB1_14:
0xf: {  	p0 =	sgt.s32 s11, $0x2;
	s0 =	smov.u32 s11;
	s1 =	sshll.u32 s13, $0xE  }
0x10: {  	s2 =	sshll.u32 s10, $0x3;
	s4 =	sshll.u32 s13, $0x7;
	s5 =	sand.u32 $0x78, s10  }
0x11: {  	s25 =	smul.u32 $0x64000, s11;
	s26 =	rddreg [dreg:$0x1];
	s27 =	sand.u32 $0x7, s10  }
0x12: {  	s29 =	sor.u32 $0x8000, s23;
	s31 =	simm.s32 $0x20000;
	s0 =	simm.s32 @!p0 $0x2  }
0x13: {  	s6 =	rddreg [dreg:$0x3];
	s1 =	sand.u32 $0xFFFE0000, s1;
	s0 =	sadd.s32 s22, s0  }
0x14: {  	s7 =	rddreg [dreg:$0x4];
	s1 =	sadd.s32 s1, s2;
	s3 =	sadd.s32 $0xFFFFFFFE, s0  }
0x15: {  	s1 =	sshrl.u32 s1, $0xE;
	s0 =	ssub.s32 $0x3, s0;
	p0 =	sgt.s32 s3, $0x0  }
0x16: {  	s4 =	sand.u32 $0x380, s4;
	s24 =	smulhi.u32 $0x147AE15, s1;
	s0 =	simm.s32 @p0 $0x0  }
0x17: {  	s2 =	sand.u32 $0x3C00, s2;
	s4 =	sor.u32 s4, s5;
	s0 =	smul.u32 s20, s0  }
0x18: {  	s8 =	rddreg [dreg:$0x5];
	s2 =	sor.u32 s2, s4;
	s3 =	smul.u32 $0xC8, s24  }
0x19: {  	s9 =	rddreg [dreg:$0x6];
	s28 =	sshll.u32 s27, $0x12;
	s2 =	sshrl.u32 s2, $0x3  }
0x1a: {  	s0 =	smul.u32 s21, s0;
	s1 =	ssub.s32 s1, s3;
	s3 =	sadd.s32 s26, s25  }
0x1b: {  	s30 =	sor.u32 $0x400, s28;
	s1 =	sshll.u32 s1, $0xB;
	s2 =	sadd.s32 s2, s3  }
0x1c: {  	s20 =	rddreg [dreg:$0x7];
	s0 =	sand.u32 $0x3FFFFFFF, s0;
	s1 =	sadd.s32 s1, s2  }
0x1d: {  	[hbm4b:s1+s30] =	stream.strided.scatter [tilespmem:s29], [sflag:$0x2], s0, s31, s30, $0x38;
	[tilespmem:$0x10000] =	vst v63  }
.LBB1_15:
0x1e: {  	p0 =	slt.u32 s16, $0x2  }
0x1f: {  	p1 =	sgt.s32 @!p0 s19, $0x2  }
0x20: {  	s0 =	smov.u32 s19;
	s1 =	sshra.s32 @!p0 s19, $0x1F;
	p1 =	por !p1, p0  }
0x21: {  	s1 =	sand.u32 @!p0 s1, s19;
	s0 =	simm.s32 @p1 $0x2;
	p1 =	sgt.s32 @!p0 s18, $0x48  }
0x22: {  	s2 =	smov.u32 s18;
	s0 =	ssub.s32 @!p0 s0, s1;
	p1 =	por !p1, p0  }
0x23: {  	s3 =	sshra.s32 @!p0 s18, $0x1F;
	s1 =	sadd.s32 @!p0 $0xFFFFFFFE, s0;
	s2 =	simm.s32 @p1 $0x48  }
0x24: {  	p1 =	sgt.s32 @!p0 s17, $0x3F80;
	p2 =	sgt.s32 @!p0 s1, $0x0;
	s1 =	sand.u32 @!p0 s3, s18  }
0x25: {  	s0 =	ssub.s32 @!p0 $0x3, s0;
	p1 =	por !p1, p0;
	s1 =	ssub.s32 @!p0 s2, s1  }
0x26: {  	s3 =	smov.u32 s17;
	p2 =	por !p2, p0;
	s2 =	sadd.s32 @!p0 $0xFFFFFFB8, s1  }
0x27: {  	s3 =	simm.s32 @p1 $0x3F80;
	p1 =	sgt.s32 @!p0 s2, $0x7F;
	s2 =	sshra.s32 @!p0 s17, $0x1F  }
0x28: {  	s1 =	ssub.s32 @!p0 $0xC8, s1;
	p1 =	por !p1, p0;
	s2 =	sand.u32 @!p0 s2, s17  }
0x29: {  	s0 =	simm.s32 @!p2 $0x0;
	s1 =	simm.s32 @!p1 $0x0;
	s2 =	ssub.s32 @!p0 s3, s2  }
0x2a: {  	s0 =	smul.u32 @!p0 s1, s0;
	s1 =	sadd.s32 @!p0 $0xFFFFC080, s2  }
0x2b: {  	p1 =	sgt.s32 @!p0 s1, $0x7F;
	s1 =	ssub.s32 @!p0 $0x4000, s2;
	s2 =	sadd.s32 $0x800, s12  }
0x2c: {  	s3 =	simm.s32 $0x1;
	p1 =	por !p1, p0;
	p2 =	sgt.s32 s2, $0x3FFF  }
0x2d: {  	s1 =	simm.s32 @!p1 $0x0;
	s3 =	simm.s32 @!p2 $0x0  }
0x2e: {  	s0 =	smul.u32 @!p0 s1, s0;
	s1 =	sadd.s32 s3, s14  }
0x2f: {  	s4 =	smov.u32 s15;
	s3 =	sadd.s32 $0x100, s15;
	p1 =	sgt.s32 s1, $0x2  }
0x30: {  	s19 =	smov.u32 s11;
	s4 =	smov.u32 @p1 s3  }
0x31: {  	s11 =	smov.u32 s14;
	s1 =	simm.s32 @p1 $0x0;
	p1 =	sgt.s32 s4, $0xC7  }
0x32: {  	s18 =	smov.u32 s13;
	s4 =	smov.u32 @p1 s9;
	p1 =	sne.s32 s16, s20  }
.Ltmp1:
0x33: {  	s13 =	smov.u32 s15;
	s17 =	smov.u32 s10;
	(pc) =	sbr.rel @!p1 .LBB1_16-.Ltmp1, $4  }
0x34: {  	s2 =	smov.u32 @p2 s6;
	s0 =	sand.u32 @!p0 $0x3FFFFFFF, s0;
	s3 =	simm.s32 @!p0 $0x2  }
0x35: {  	s10 =	smov.u32 s12;
	s12 =	smov.u32 s2;
	_ =	swait.ge @!p0 [sflag:s3], s0  }
0x36: {  	s0 =	ssub.s32 @!p0 $0x0, s0;
	s14 =	smov.u32 s1;
	[sflag:s3] =	ssyncset.done @!p0 $0x0  }
0x37: {  	s16 =	sadd.s32 $0x1, s16;
	[sflag:s3] =	ssyncadd.s32 @!p0 s0;
	s15 =	smov.u32 s4  }
.LBB1_1:
0x38: {  	p0 =	sge.u32 s16, s8;
	s2 =	smov.u32 s15  }
0x39: {  	s4 =	smov.u32 s12;
	s31 =	sadd.s32 $0xFFFFFFFF, s16;
	s0 =	sand.u32 @!p0 $0x78, s12  }
0x3a: {  	s1 =	sshll.u32 @!p0 s14, $0x7;
	p1 =	sgt.s32 @!p0 s15, $0x48;
	s3 =	sshra.s32 @!p0 s15, $0x1F  }
0x3b: {  	s1 =	sand.u32 @!p0 $0x180, s1;
	p1 =	por !p1, p0;
	s3 =	sand.u32 @!p0 s3, s15  }
0x3c: {  	s2 =	simm.s32 @p1 $0x48;
	p1 =	sgt.s32 @!p0 s14, $0x3;
	s0 =	sor.u32 @!p0 s1, s0  }
0x3d: {  	s1 =	ssub.s32 @!p0 s2, s3;
	p1 =	por !p1, p0;
	s2 =	smov.u32 s14  }
0x3e: {  	s3 =	sshra.s32 @!p0 s14, $0x1F;
	s2 =	simm.s32 @p1 $0x3;
	p1 =	sgt.s32 @!p0 s12, $0x3F80  }
0x3f: {  	s5 =	sshra.s32 @!p0 s12, $0x1F;
	s3 =	sand.u32 @!p0 s3, s14;
	p1 =	por !p1, p0  }
0x40: {  	s2 =	ssub.s32 @!p0 s2, s3;
	s3 =	sand.u32 @!p0 s5, s12;
	s5 =	sadd.s32 @!p0 $0xFFFFFFB8, s1  }
0x41: {  	s1 =	ssub.s32 @!p0 $0xC8, s1;
	s4 =	simm.s32 @p1 $0x3F80;
	p1 =	sgt.s32 @!p0 s5, $0x7F  }
0x42: {  	s3 =	ssub.s32 @!p0 s4, s3;
	s4 =	sadd.s32 @!p0 $0xFFFFFFFD, s2;
	p1 =	por !p1, p0  }
0x43: {  	s2 =	ssub.s32 @!p0 $0x4, s2;
	p2 =	sgt.s32 @!p0 s4, $0x0;
	s4 =	sadd.s32 @!p0 $0xFFFFC080, s3  }
0x44: {  	p3 =	sgt.s32 @!p0 s4, $0x7F;
	s4 =	sshll.u32 @!p0 s12, $0x2;
	p2 =	por !p2, p0  }
0x45: {  	s1 =	simm.s32 @!p1 $0x0;
	s2 =	simm.s32 @!p2 $0x0;
	s4 =	sand.u32 @!p0 $0x3E00, s4  }
0x46: {  	p1 =	por !p3, p0;
	s1 =	smul.u32 @!p0 s1, s2;
	s2 =	ssub.s32 @!p0 $0x4000, s3  }
0x47: {  	s3 =	sxor.u32 @!p0 $0xFFFFFFFF, s16;
	s0 =	sor.u32 @!p0 s4, s0;
	s2 =	simm.s32 @!p1 $0x0  }
0x48: {  	s4 =	sshrl.u32 @!p0 s12, $0x1;
	s1 =	smul.u32 @!p0 s2, s1;
	s2 =	sshll.u32 @!p0 s15, $0xD  }
0x49: {  	s3 =	sshll.u32 @!p0 s3, $0xE;
	s4 =	sand.u32 @!p0 $0x1800, s4;
	s2 =	sadd.s32 @!p0 s7, s2  }
0x4a: {  	s0 =	sshrl.u32 @!p0 s0, $0x3;
	s2 =	sadd.s32 @!p0 s4, s2;
	s4 =	sand.u32 @!p0 $0x7, s12  }
0x4b: {  	s3 =	sand.u32 @!p0 $0x4000, s3;
	s1 =	sand.u32 @!p0 $0x3FFFFFFF, s1;
	s4 =	sshll.u32 @!p0 s4, $0x12  }
0x4c: {  	s0 =	sadd.s32 @!p0 s0, s2;
	s2 =	sor.u32 @!p0 $0x80, s4;
	s4 =	simm.s32 @!p0 $0x10000  }
0x4d: {  	[tilespmem:s3], [sflag:$0x1] =	stream.strided.gather @!p0 [hbm4b:s0+s2], s1, s4, s2, $0x38;
	[tilespmem:$0x10000] =	vst v63  }
0x4e: {  	p0 =	sge.u32 s31, s8  }
.Ltmp2:
0x4f: {  	_ = 	snop;
	(pc) =	sbr.rel @p0 .LBB1_15-.Ltmp2, $1  }
0x50: {  	_ =	sdelay $0x3  }
0x51: {  	p0 =	sgt.s32 s13, $0x48;
	s0 =	smov.u32 s13  }
0x52: {  	s1 =	sshra.s32 s13, $0x1F;
	s23 =	ssub.s32 $0x0, s11;
	s2 =	sshra.s32 s11, $0x1F  }
0x53: {  	p1 =	sgt.s32 s10, $0x3F80;
	s3 =	smov.u32 s10;
	s4 =	sshra.s32 s10, $0x1F  }
0x54: {  	s5 =	smov.u32 s11;
	s0 =	simm.s32 @!p0 $0x48;
	s1 =	sand.u32 s1, s13  }
0x55: {  	s3 =	simm.s32 @!p1 $0x3F80;
	p1 =	sgt.s32 s11, $0x3;
	s4 =	sand.u32 s4, s10  }
0x56: {  	s22 =	sand.u32 s23, s2;
	s2 =	sadd.s32 $0x80, s13;
	s0 =	ssub.s32 s0, s1  }
0x57: {  	s5 =	simm.s32 @!p1 $0x3;
	s24 =	ssub.s32 s3, s4;
	s3 =	sadd.s32 $0x1, s11  }
0x58: {  	s1 =	sadd.s32 $0xFFFFFFB8, s0;
	s20 =	ssub.s32 $0xC8, s0;
	s25 =	sadd.s32 s22, s5  }
0x59: {  	s26 =	sadd.s32 $0xFFFFC080, s24;
	p0 =	sgt.s32 s1, $0x7F;
	s27 =	sadd.s32 $0xFFFFFFFD, s25  }
0x5a: {  	s0 =	ssub.s32 $0x4, s25;
	s20 =	simm.s32 @p0 $0x0;
	p0 =	sgt.s32 s27, $0x0  }
0x5b: {  	s21 =	ssub.s32 $0x4000, s24;
	s0 =	simm.s32 @p0 $0x0;
	p0 =	slt.s32 s2, $0xC8  }
0x5c: {  	p1 =	sgt.s32 s26, $0x7F;
	s2 =	simm.s32 @!p0 $0xC8;
	p0 =	slt.s32 s3, $0x3  }
0x5d: {  	s21 =	simm.s32 @p1 $0x0;
	s24 =	ssub.s32 s2, s13;
	s3 =	simm.s32 @!p0 $0x3  }
0x5e: {  	s28 =	smul.u32 s20, s21;
	s25 =	ssub.s32 s3, s11;
	p0 =	slt.s32 s24, $0x1  }
0x5f: {  	p1 =	slt.s32 @!p0 s25, $0x1  }
0x60: {  	s0 =	smul.u32 s0, s28;
	p1 =	por p0, p1  }
.Ltmp3:
0x61: {  	_ = 	snop;
	(pc) =	sbr.rel @p1 .LBB1_14-.Ltmp3, $4  }
0x62: {  	s30 =	simm.s32 $0x1;
	s0 =	sand.u32 $0x3FFFFFFF, s0  }
0x63: {  	_ =	swait.ge [sflag:s30], s0  }
0x64: {  	s31 =	sshll.u32 s16, $0xE;
	s29 =	ssub.s32 $0x0, s0;
	[sflag:s30] =	ssyncset.done $0x0  }
0x65: {  	s23 =	sand.u32 $0x4000, s31;
	[sflag:s30] =	ssyncadd.s32 s29  }
0x66: {  	s0 =	sadd.s32 $0x80, s10  }
0x67: {  	p1 =	slt.s32 s0, $0x4000  }
.Ltmp4:
0x68: {  	s0 =	simm.s32 @!p1 $0x4000;
	(pc) =	sbr.rel .LBB1_4-.Ltmp4, $4  }
0x69: {  	s28 =	sor.u32 @!p0 $0x8000, s23;
	s0 =	ssub.s32 s0, s10  }
0x6a: {  	s30 =	simm.s32 $0x0;
	s7 =	simm.s32 $0x400;
	s0 =	sadd.s32 $0xF, s0  }
0x6b: {  	s26 =	sand.u32 $0xFFFFFFF0, s0;
	s27 =	sand.u32 @!p0 $0xFFFFFF00, s0;
	s1 =	sshll.u32 s0, $0x3  }
0x6c: {  	p0 =	slt.s32 s0, $0x100;
	s29 =	sand.u32 $0xFFFFF800, s1;
	p1 =	sge.s32 s27, s26  }
.LBB1_13:
0x6d: {  	s30 =	sadd.s32 $0x1, s30  }
0x6e: {  	p2 =	sne.s32 s30, s24  }
.Ltmp5:
0x6f: {  	_ = 	snop;
	(pc) =	sbr.rel @!p2 .LBB1_14-.Ltmp5, $2  }
0x70: {  	_ =	sdelay $0x2  }
0x71: {  	s7 =	sadd.s32 $0x80, s7  }
.LBB1_4:
.Ltmp6:
0x72: {  	(pc) =	sbr.rel .LBB1_5-.Ltmp6, $4  }
0x73: {  	_ = 	snop  }
0x74: {  	s1 =	sshll.u32 s30, $0x7  }
0x75: {  	s2 =	sand.u32 $0x380, s1  }
0x76: {  	s9 =	simm.s32 $0x0;
	s0 =	sadd.s32 s1, s23;
	s3 =	sadd.s32 s2, s28  }
.LBB1_12:
0x77: {  	s9 =	sadd.s32 $0x1, s9  }
0x78: {  	p2 =	sne.s32 s9, s25  }
.Ltmp7:
0x79: {  	_ = 	snop;
	(pc) =	sbr.rel @!p2 .LBB1_13-.Ltmp7, $1  }
0x7a: {  	_ =	sdelay $0x3  }
.LBB1_5:
.Ltmp8:
0x7b: {  	(pc) =	sbr.rel @p0 .LBB1_9-.Ltmp8, $2  }
0x7c: {  	_ =	sdelay $0x2  }
0x7d: {  	s5 =	sshll.u32 s9, $0x10  }
0x7e: {  	s2 =	sshll.u32 s9, $0x7  }
0x7f: {  	s4 =	sshra.s32 s5, $0x2;
	s2 =	sand.u32 $0x180, s2  }
0x80: {  	s8 =	sadd.s32 s4, s3;
	s4 =	sadd.s32 s2, s0  }
0x81: {  	v0 =	vmov s8;
	v6 =	vld [tilespmem:s4+$0x70]  }
0x82: {  	v7 =	vld [tilespmem:s4+$0x0]  }
0x83: {  	v8 =	vld [tilespmem:s4+$0x10]  }
0x84: {  	v1 =	vld [tilespmem:s4+$0x20]  }
0x85: {  	s6 =	sadd.s32 $0xFFFFFC00, s7;
	s8 =	sand.u32 $0x3C00, s7;
	v2 =	vld [tilespmem:s4+$0x30]  }
0x86: {  	s2 =	sand.u32 $0x3C00, s6;
	v3 =	vld [tilespmem:s4+$0x40];
	[tilespmem:v0+s8+$0x70 ss:$0x1] =	vst.idx.msk $0xffff, v6  }
0x87: {  	v5 =	vld [tilespmem:s4+$0x50];
	[tilespmem:v0+s2+$0x0 ss:$0x1] =	vst.idx.msk $0xffff, v7  }
0x88: {  	v4 =	vld [tilespmem:s4+$0x60];
	[tilespmem:v0+s2+$0x10 ss:$0x1] =	vst.idx.msk $0xffff, v8  }
0x89: {  	[tilespmem:v0+s2+$0x20 ss:$0x1] =	vst.idx.msk $0xffff, v1  }
0x8a: {  	[tilespmem:v0+s2+$0x30 ss:$0x1] =	vst.idx.msk $0xffff, v2  }
0x8b: {  	p2 =	sgt.s32 s27, $0x100;
	[tilespmem:v0+s2+$0x40 ss:$0x1] =	vst.idx.msk $0xffff, v3  }
.Ltmp9:
0x8c: {  	[tilespmem:v0+s2+$0x50 ss:$0x1] =	vst.idx.msk $0xffff, v5;
	(pc) =	sbr.rel @!p2 .LBB1_8-.Ltmp9, $4  }
0x8d: {  	[tilespmem:v0+s2+$0x60 ss:$0x1] =	vst.idx.msk $0xffff, v4  }
0x8e: {  	[tilespmem:v0+s2+$0x70 ss:$0x1] =	vst.idx.msk $0xffff, v6  }
0x8f: {  	[tilespmem:v0+s8+$0x0 ss:$0x1] =	vst.idx.msk $0xffff, v7  }
0x90: {  	s31 =	smov.u32 s7;
	s2 =	simm.s32 $0x100;
	[tilespmem:v0+s8+$0x10 ss:$0x1] =	vst.idx.msk $0xffff, v8  }
.LBB1_7:
0x91: {  	v6 =	vld [tilespmem:s4+$0x70];
	s2 =	sadd.s32 $0x100, s2;
	[tilespmem:v0+s8+$0x20 ss:$0x1] =	vst.idx.msk $0xffff, v1  }
0x92: {  	v7 =	vld [tilespmem:s4+$0x0];
	p2 =	slt.s32 s2, s27;
	[tilespmem:v0+s8+$0x30 ss:$0x1] =	vst.idx.msk $0xffff, v2  }
0x93: {  	v8 =	vld [tilespmem:s4+$0x10];
	[tilespmem:v0+s8+$0x40 ss:$0x1] =	vst.idx.msk $0xffff, v3  }
0x94: {  	s31 =	sadd.s32 $0x800, s31;
	v1 =	vld [tilespmem:s4+$0x20];
	[tilespmem:v0+s8+$0x50 ss:$0x1] =	vst.idx.msk $0xffff, v5  }
0x95: {  	s6 =	sadd.s32 $0xFFFFFC00, s31;
	v2 =	vld [tilespmem:s4+$0x30];
	[tilespmem:v0+s8+$0x60 ss:$0x1] =	vst.idx.msk $0xffff, v4;
	s8 =	sand.u32 $0x3C00, s31  }
0x96: {  	s6 =	sand.u32 $0x3C00, s6;
	v3 =	vld [tilespmem:s4+$0x40];
	[tilespmem:v0+s8+$0x70 ss:$0x1] =	vst.idx.msk $0xffff, v6  }
0x97: {  	[tilespmem:v0+s6+$0x0 ss:$0x1] =	vst.idx.msk $0xffff, v7;
	v5 =	vld [tilespmem:s4+$0x50]  }
0x98: {  	[tilespmem:v0+s6+$0x10 ss:$0x1] =	vst.idx.msk $0xffff, v8;
	v4 =	vld [tilespmem:s4+$0x60]  }
0x99: {  	[tilespmem:v0+s6+$0x20 ss:$0x1] =	vst.idx.msk $0xffff, v1  }
0x9a: {  	[tilespmem:v0+s6+$0x30 ss:$0x1] =	vst.idx.msk $0xffff, v2  }
0x9b: {  	[tilespmem:v0+s6+$0x40 ss:$0x1] =	vst.idx.msk $0xffff, v3  }
.Ltmp10:
0x9c: {  	[tilespmem:v0+s6+$0x50 ss:$0x1] =	vst.idx.msk $0xffff, v5;
	(pc) =	sbr.rel @p2 .LBB1_7-.Ltmp10, $4  }
0x9d: {  	[tilespmem:v0+s6+$0x60 ss:$0x1] =	vst.idx.msk $0xffff, v4  }
0x9e: {  	[tilespmem:v0+s6+$0x70 ss:$0x1] =	vst.idx.msk $0xffff, v6  }
0x9f: {  	[tilespmem:v0+s8+$0x0 ss:$0x1] =	vst.idx.msk $0xffff, v7  }
0xa0: {  	[tilespmem:v0+s8+$0x10 ss:$0x1] =	vst.idx.msk $0xffff, v8  }
.LBB1_8:
0xa1: {  	_ =	sdelay $0x3  }
0xa2: {  	[tilespmem:v0+s8+$0x20 ss:$0x1] =	vst.idx.msk $0xffff, v1  }
0xa3: {  	[tilespmem:v0+s8+$0x30 ss:$0x1] =	vst.idx.msk $0xffff, v2  }
0xa4: {  	[tilespmem:v0+s8+$0x40 ss:$0x1] =	vst.idx.msk $0xffff, v3  }
0xa5: {  	[tilespmem:v0+s8+$0x50 ss:$0x1] =	vst.idx.msk $0xffff, v5  }
0xa6: {  	[tilespmem:v0+s8+$0x60 ss:$0x1] =	vst.idx.msk $0xffff, v4  }
.LBB1_9:
.Ltmp11:
0xa7: {  	(pc) =	sbr.rel @p1 .LBB1_12-.Ltmp11, $1  }
0xa8: {  	_ =	sdelay $0x3  }
0xa9: {  	s2 =	sand.u32 $0x3, s9  }
0xaa: {  	s2 =	sadd.s32 s30, s2  }
0xab: {  	s2 =	sshll.u32 s2, $0x9  }
0xac: {  	s2 =	sshra.s32 s2, $0x2  }
0xad: {  	s4 =	sadd.s32 s2, s23  }
0xae: {  	v0 =	vmov s4;
	_ =	sdelay $0x1  }
0xaf: {  	s31 =	sshra.s32 s5, $0x2  }
0xb0: {  	s5 =	smov.u32 s27;
	s2 =	sadd.s32 s31, s3;
	s4 =	smov.u32 s29  }
.LBB1_11:
0xb1: {  	s6 =	sand.u32 $0x70, s5;
	s5 =	sadd.s32 $0x10, s5  }
0xb2: {  	s8 =	sand.u32 $0x3C00, s4;
	v1 =	vld.idx.msk [tilespmem:v0+s6+$0x0 ss:$0x1], $0xffff;
	p2 =	slt.s32 s5, s26  }
.Ltmp12:
0xb3: {  	s8 =	sadd.s32 s1, s8;
	(pc) =	sbr.rel @p2 .LBB1_11-.Ltmp12, $4  }
0xb4: {  	s8 =	sand.u32 $0x3C00, s8  }
0xb5: {  	s8 =	sadd.s32 s8, s2  }
0xb6: {  	s6 =	sadd.s32 s6, s8  }
0xb7: {  	s4 =	sadd.s32 $0x80, s4;
	[tilespmem:s6+$0x0] =	vst v1  }
.Ltmp13:
0xb8: {  	_ = 	snop;
	(pc) =	sbr.rel .LBB1_12-.Ltmp13, $1  }
0xb9: {  	_ =	sdelay $0x3  }
.LBB1_16:
0xba: {  	_ =	sfence.sel $0x180000  }
0xbb: {  	s0 =	simm.s32 $0x1;
	[bflag:$0x0] =	sbarrier.arrive $0xFFFF  }
0xbc: {  	s30 =	simm.s32 $0x2;
	[sflag:s0] =	ssyncpa.u1 $0x1  }
0xbd: {  	[sflag:s30] =	ssyncpa.u1 $0x1  }
0xbe: {  	_ =	strace $0x9000004D  }
0xbf: {  	s31 =	stileid.u32;
	[bflag:$0x2] =	sbarrier.arrive $0xFFFF  }
0xc0: {  	p0 =	sne.s32 s31, $0x0;
	s0 =	rddreg [dreg:$0x2]  }
0xc1: {  	s0 =	sadd.s32 @!p0 $0x100000, s0  }
0xc2: {  	[sflag:s0] =	ssyncadd.tile.s32 @!p0 $0x1;
	_ =	shalt  }
.Lfunc_end1:
_tile_overlayer_lowered:
.L_overlay_start_2:
0xc3: {  	(tag) =	ssettag $0x2  }
0xc4: {  	s0 =	rddreg [dreg:$0x0];
	s2 =	stileid.u32  }
0xc5: {  	s1 =	rddreg [dreg:$0x1];
	p0 =	sne.s32 s2, $0x0  }
0xc6: {  	s3 =	rddreg [dreg:$0x2];
	[bflag:$0x3] =	sbarrier.arrive $0xFFFF;
	s2 =	simm.s32 @!p0 $0x1C01  }
0xc7: {  	[timem:s3], [sflag:s2] =	dma.local @!p0 [hbm:s0], s1  }
0xc8: {  	s0 =	simm.s32 @!p0 $0x1  }
0xc9: {  	_ =	swait.ge @!p0 [sflag:s0], s1  }
0xca: {  	s1 =	ssub.s32 @!p0 $0x0, s1;
	[sflag:s0] =	ssyncset.done @!p0 $0x0  }
0xcb: {  	[sflag:s0] =	ssyncadd.s32 @!p0 s1  }
0xcc: {  	[bflag:$0x3] =	sbarrier.arrive $0xFFFF  }
0xcd: {  	_ =	shalt  }

</sc_bundles>
